<compile_context>
chip_gen: v7x
topology: tpu7x:2x2x1
jax: 0.10.2.dev20260603
libtpu: 0.0.44.dev20260713+nightly
codegen_flags: <defaults>
</compile_context>

<pallas_src>
import functools
import math

import jax
import jax.numpy as jnp
from jax.experimental import pallas as pl
from jax.experimental.pallas import tpu as pltpu

_F32 = jnp.float32


def _lnk(x, g, b, eps=1e-12):
    m = jnp.mean(x, axis=-1, keepdims=True)
    c = x - m
    v = jnp.mean(c * c, axis=-1, keepdims=True)
    return c * jax.lax.rsqrt(v + eps) * g + b


def _router_krn(topk_ref, flat_ref, elay_ref, rW1_ref, rb1_ref, rW2_ref,
                rb2_ref, hW_ref, hb_ref, probs_ref, w_ref):
    flat = flat_ref[:]
    g1 = jnp.maximum(
        jnp.dot(flat, rW1_ref[:], preferred_element_type=_F32) + rb1_ref[:],
        0.0)
    logits = (jnp.dot(g1, rW2_ref[:], preferred_element_type=_F32)
              + rb2_ref[:]
              + jnp.dot(elay_ref[:], hW_ref[:], preferred_element_type=_F32)
              + hb_ref[:])
    mx = jnp.max(logits, axis=-1, keepdims=True)
    ex = jnp.exp(logits - mx)
    probs = ex / jnp.sum(ex, axis=-1, keepdims=True)
    probs_ref[:] = probs

    Bb, E = probs.shape
    idx = jax.lax.broadcasted_iota(jnp.int32, (Bb, E), 1)
    m1 = jnp.max(probs, axis=-1, keepdims=True)
    i1 = jnp.min(jnp.where(probs == m1, idx, E), axis=-1, keepdims=True)
    oh1 = (idx == i1).astype(_F32)
    pm = jnp.where(idx == i1, -jnp.inf, probs)
    m2 = jnp.max(pm, axis=-1, keepdims=True)
    i2 = jnp.min(jnp.where(pm == m2, idx, E), axis=-1, keepdims=True)
    oh2 = (idx == i2).astype(_F32)
    all_conf = jnp.min((m1 > 0.7).astype(jnp.int32))
    k_arr = jnp.where(all_conf == 1, 1, topk_ref[0, 0])
    use2 = (k_arr >= 2).astype(_F32)
    w_ref[:] = m1 * oh1 + use2 * m2 * oh2


def _expert_krn(x_ref, w_ref, pos_ref, leg_ref, leb_ref, Wq_ref, bq_ref,
                Wk_ref, bk_ref, Wv_ref, bv_ref, Wo_ref, bo_ref, l1g_ref,
                l1b_ref, fW1_ref, fb1_ref, fW2_ref, fb2_ref, l2g_ref,
                l2b_ref, z_ref, *, B, S, H, DH):
    e = pl.program_id(0)
    R = B * S
    x = x_ref[:]

    maxpos = pos_ref.shape[1]
    r_col = jax.lax.broadcasted_iota(jnp.int32, (R, maxpos), 0)
    s_col = jax.lax.broadcasted_iota(jnp.int32, (R, maxpos), 1)
    rep_pos = ((r_col % S) == s_col).astype(_F32)
    posrow = jnp.dot(rep_pos, pos_ref[0], preferred_element_type=_F32)

    h = _lnk(x + posrow, leg_ref[0], leb_ref[0])
    q = jnp.dot(h, Wq_ref[0], preferred_element_type=_F32) + bq_ref[0]
    k = jnp.dot(h, Wk_ref[0], preferred_element_type=_F32) + bk_ref[0]
    v = jnp.dot(h, Wv_ref[0], preferred_element_type=_F32) + bv_ref[0]

    b_row = jax.lax.broadcasted_iota(jnp.int32, (R, 1), 0) // S
    b_col = jax.lax.broadcasted_iota(jnp.int32, (1, R), 1) // S
    neg = jnp.where(b_row == b_col, 0.0, -1e30)

    scale = 1.0 / math.sqrt(DH)
    ctx_parts = []
    for hd in range(H):
        qh = q[:, hd * DH:(hd + 1) * DH]
        kh = k[:, hd * DH:(hd + 1) * DH]
        vh = v[:, hd * DH:(hd + 1) * DH]
        sc = jax.lax.dot_general(
            qh, kh, dimension_numbers=(((1,), (1,)), ((), ())),
            preferred_element_type=_F32) * scale + neg
        smx = jnp.max(sc, axis=-1, keepdims=True)
        p = jnp.exp(sc - smx)
        p = p / jnp.sum(p, axis=-1, keepdims=True)
        ctx_parts.append(jnp.dot(p, vh, preferred_element_type=_F32))
    ctx = jnp.concatenate(ctx_parts, axis=1)

    h1 = _lnk(jnp.dot(ctx, Wo_ref[0], preferred_element_type=_F32)
              + bo_ref[0] + h, l1g_ref[0], l1b_ref[0])
    a = jnp.dot(h1, fW1_ref[0], preferred_element_type=_F32) + fb1_ref[0]
    ga = 0.5 * a * (1.0 + jax.lax.erf(a * (1.0 / math.sqrt(2.0))))
    f = jnp.dot(ga, fW2_ref[0], preferred_element_type=_F32) + fb2_ref[0]
    oute = _lnk(f + h1, l2g_ref[0], l2b_ref[0])

    E = w_ref.shape[1]
    lane = jax.lax.broadcasted_iota(jnp.int32, (B, E), 1)
    wsel = jnp.sum(w_ref[:] * (lane == e).astype(_F32), axis=1,
                   keepdims=True)
    rb = jax.lax.broadcasted_iota(jnp.int32, (R, B), 0) // S
    cb = jax.lax.broadcasted_iota(jnp.int32, (R, B), 1)
    rep = (rb == cb).astype(_F32)
    wrows = jnp.dot(rep, wsel, preferred_element_type=_F32)

    contrib = wrows * oute

    @pl.when(e == 0)
    def _():
        z_ref[:] = contrib

    @pl.when(e > 0)
    def _():
        z_ref[:] = z_ref[:] + contrib


def _head_krn(z_ref, oW_ref, ob_ref, out_ref):
    out_ref[:] = (jnp.dot(z_ref[:], oW_ref[:], preferred_element_type=_F32)
                  + ob_ref[:])


def kernel(h_t, e_task, e_layout, token_embeds, rW1, rb1, rW2, rb2, hW, hb,
           pos, leg, leb, Wq, bq, Wk, bk, Wv, bv, Wo, bo, l1g, l1b, fW1,
           fb1, fW2, fb2, l2g, l2b, oW, ob, top_k):
    B, D = h_t.shape
    N = token_embeds.shape[1]
    S = N + 3
    R = B * S
    E, MAXPOS, _ = pos.shape
    FF = fW1.shape[2]
    VOCAB = oW.shape[1]
    H, DH = 8, 32

    flat = jnp.concatenate([h_t, e_task, e_layout], axis=-1)
    x_flat = jnp.concatenate(
        [h_t[:, None, :], e_task[:, None, :], e_layout[:, None, :],
         token_embeds], axis=1).reshape(R, D)
    topk_arr = jnp.asarray(top_k, jnp.int32).reshape(1, 1)

    probs, w = pl.pallas_call(
        _router_krn,
        in_specs=[
            pl.BlockSpec(memory_space=pltpu.SMEM),
            pl.BlockSpec((B, 3 * D), lambda: (0, 0)),
            pl.BlockSpec((B, D), lambda: (0, 0)),
            pl.BlockSpec((3 * D, rW1.shape[1]), lambda: (0, 0)),
            pl.BlockSpec((1, rW1.shape[1]), lambda: (0, 0)),
            pl.BlockSpec((rW2.shape[0], E), lambda: (0, 0)),
            pl.BlockSpec((1, E), lambda: (0, 0)),
            pl.BlockSpec((D, E), lambda: (0, 0)),
            pl.BlockSpec((1, E), lambda: (0, 0)),
        ],
        out_specs=[pl.BlockSpec((B, E), lambda: (0, 0)),
                   pl.BlockSpec((B, E), lambda: (0, 0))],
        out_shape=[jax.ShapeDtypeStruct((B, E), _F32),
                   jax.ShapeDtypeStruct((B, E), _F32)],
    )(topk_arr, flat, e_layout, rW1, rb1.reshape(1, -1), rW2,
      rb2.reshape(1, -1), hW, hb.reshape(1, -1))

    def vec_e(n):
        return pl.BlockSpec((1, 1, n), lambda e: (e, 0, 0))

    def as3(arr):
        return arr.reshape(arr.shape[0], 1, arr.shape[1])

    z = pl.pallas_call(
        functools.partial(_expert_krn, B=B, S=S, H=H, DH=DH),
        grid=(E,),
        in_specs=[
            pl.BlockSpec((R, D), lambda e: (0, 0)),
            pl.BlockSpec((B, E), lambda e: (0, 0)),
            pl.BlockSpec((1, MAXPOS, D), lambda e: (e, 0, 0)),
            vec_e(D), vec_e(D),
            pl.BlockSpec((1, D, D), lambda e: (e, 0, 0)), vec_e(D),
            pl.BlockSpec((1, D, D), lambda e: (e, 0, 0)), vec_e(D),
            pl.BlockSpec((1, D, D), lambda e: (e, 0, 0)), vec_e(D),
            pl.BlockSpec((1, D, D), lambda e: (e, 0, 0)), vec_e(D),
            vec_e(D), vec_e(D),
            pl.BlockSpec((1, D, FF), lambda e: (e, 0, 0)), vec_e(FF),
            pl.BlockSpec((1, FF, D), lambda e: (e, 0, 0)), vec_e(D),
            vec_e(D), vec_e(D),
        ],
        out_specs=pl.BlockSpec((R, D), lambda e: (0, 0)),
        out_shape=jax.ShapeDtypeStruct((R, D), _F32),
        compiler_params=pltpu.CompilerParams(
            dimension_semantics=("arbitrary",)),
    )(x_flat, w, pos, as3(leg), as3(leb), Wq, as3(bq), Wk, as3(bk), Wv,
      as3(bv), Wo, as3(bo), as3(l1g), as3(l1b), fW1, as3(fb1), fW2,
      as3(fb2), as3(l2g), as3(l2b))

    VT = 1280
    assert VOCAB % VT == 0
    logits = pl.pallas_call(
        _head_krn,
        grid=(VOCAB // VT,),
        in_specs=[
            pl.BlockSpec((R, D), lambda j: (0, 0)),
            pl.BlockSpec((D, VT), lambda j: (0, j)),
            pl.BlockSpec((1, VT), lambda j: (0, j)),
        ],
        out_specs=pl.BlockSpec((R, VT), lambda j: (0, j)),
        out_shape=jax.ShapeDtypeStruct((R, VOCAB), _F32),
        compiler_params=pltpu.CompilerParams(
            dimension_semantics=("arbitrary",)),
    )(z, oW, ob.reshape(1, -1))

    return logits.reshape(B, S, VOCAB), probs

# --- scband reference (transcript-rebuilt; emitter-appended) ---
"""Pipeline reference for scband-key-pilot-decoder-28063316312423 (READ-ONLY COPY).

The authoritative reference and input builder live on the scoring server;
editing this copy changes nothing except your own understanding.
"""

import jax, jax.numpy as jnp
import numpy as np

D = 256; H = 8; DH = 32; FF = 1024; E = 5; VOCAB = 32000; HID = 128; MAXPOS = 64
B = 32; N = 32


def _ln(x, g, b, eps=1e-12):
    m = x.mean(-1, keepdims=True)
    v = ((x - m) ** 2).mean(-1, keepdims=True)
    return (x - m) / jnp.sqrt(v + eps) * g + b


def _expert(x, pos, leg, leb, Wq, bq, Wk, bk, Wv, bv, Wo, bo, l1g, l1b, fW1, fb1, fW2, fb2, l2g, l2b):
    Bb, S, _ = x.shape
    h = _ln(x + pos[:S][None, :, :], leg, leb)
    q = (h @ Wq + bq).reshape(Bb, S, H, DH).transpose(0, 2, 1, 3)
    k = (h @ Wk + bk).reshape(Bb, S, H, DH).transpose(0, 2, 1, 3)
    v = (h @ Wv + bv).reshape(Bb, S, H, DH).transpose(0, 2, 1, 3)
    att = jax.nn.softmax(jnp.einsum('bhqd,bhkd->bhqk', q, k) / jnp.sqrt(float(DH)), axis=-1)
    ctx = jnp.einsum('bhqk,bhkd->bhqd', att, v).transpose(0, 2, 1, 3).reshape(Bb, S, D)
    h1 = _ln(ctx @ Wo + bo + h, l1g, l1b)
    f = jax.nn.gelu(h1 @ fW1 + fb1, approximate=False) @ fW2 + fb2
    return _ln(f + h1, l2g, l2b)


def setup_inputs(seed: int = 0):
    key = jax.random.key(seed)
    ks = jax.random.split(key, 40)
    s = 0.02
    inp = {}
    inp['h_t'] = jax.random.normal(ks[0], (B, D), jnp.float32)
    inp['e_task'] = jax.random.normal(ks[1], (B, D), jnp.float32)
    inp['e_layout'] = jax.random.normal(ks[2], (B, D), jnp.float32)
    inp['token_embeds'] = jax.random.normal(ks[3], (B, N, D), jnp.float32)
    inp['rW1'] = jax.random.normal(ks[4], (3 * D, HID), jnp.float32) * s
    inp['rb1'] = jnp.zeros((HID,), jnp.float32)
    inp['rW2'] = jax.random.normal(ks[5], (HID, E), jnp.float32) * s
    inp['rb2'] = jnp.zeros((E,), jnp.float32)
    inp['hW'] = jax.random.normal(ks[6], (D, E), jnp.float32) * s
    inp['hb'] = jnp.zeros((E,), jnp.float32)
    inp['pos'] = jax.random.normal(ks[7], (E, MAXPOS, D), jnp.float32) * s
    inp['leg'] = jnp.ones((E, D), jnp.float32)
    inp['leb'] = jnp.zeros((E, D), jnp.float32)
    inp['Wq'] = jax.random.normal(ks[8], (E, D, D), jnp.float32) * s
    inp['bq'] = jnp.zeros((E, D), jnp.float32)
    inp['Wk'] = jax.random.normal(ks[9], (E, D, D), jnp.float32) * s
    inp['bk'] = jnp.zeros((E, D), jnp.float32)
    inp['Wv'] = jax.random.normal(ks[10], (E, D, D), jnp.float32) * s
    inp['bv'] = jnp.zeros((E, D), jnp.float32)
    inp['Wo'] = jax.random.normal(ks[11], (E, D, D), jnp.float32) * s
    inp['bo'] = jnp.zeros((E, D), jnp.float32)
    inp['l1g'] = jnp.ones((E, D), jnp.float32)
    inp['l1b'] = jnp.zeros((E, D), jnp.float32)
    inp['fW1'] = jax.random.normal(ks[12], (E, D, FF), jnp.float32) * s
    inp['fb1'] = jnp.zeros((E, FF), jnp.float32)
    inp['fW2'] = jax.random.normal(ks[13], (E, FF, D), jnp.float32) * s
    inp['fb2'] = jnp.zeros((E, D), jnp.float32)
    inp['l2g'] = jnp.ones((E, D), jnp.float32)
    inp['l2b'] = jnp.zeros((E, D), jnp.float32)
    inp['oW'] = jax.random.normal(ks[14], (D, VOCAB), jnp.float32) * s
    inp['ob'] = jnp.zeros((VOCAB,), jnp.float32)
    inp['top_k'] = 2
    return inp


def reference(h_t, e_task, e_layout, token_embeds, rW1, rb1, rW2, rb2, hW, hb, pos, leg, leb, Wq, bq, Wk, bk, Wv, bv, Wo, bo, l1g, l1b, fW1, fb1, fW2, fb2, l2g, l2b, oW, ob, top_k):
    Bb = h_t.shape[0]
    prefix = jnp.stack([h_t, e_task, e_layout], axis=1)
    x_t = jnp.concatenate([prefix, token_embeds], axis=1)
    flat = jnp.concatenate([h_t, e_task, e_layout], axis=-1)
    gate_logits = jax.nn.relu(flat @ rW1 + rb1) @ rW2 + rb2 + (e_layout @ hW + hb)
    gate_probs = jax.nn.softmax(gate_logits, axis=-1)
    max_prob = gate_probs.max(axis=-1)
    k_arr = jnp.max(jnp.where(max_prob > 0.7, 1, top_k))
    K = 2
    vals, idx = jax.lax.top_k(gate_probs, K)
    w = jnp.zeros((Bb, E), jnp.float32)
    for i in range(K):
        term = jnp.where(i < k_arr, vals[:, i:i + 1], 0.0)
        w = w + term * jax.nn.one_hot(idx[:, i], E, dtype=jnp.float32)
    z = jnp.zeros_like(x_t)
    for e in range(E):
        out = _expert(x_t, pos[e], leg[e], leb[e], Wq[e], bq[e], Wk[e], bk[e], Wv[e], bv[e], Wo[e], bo[e], l1g[e], l1b[e], fW1[e], fb1[e], fW2[e], fb2[e], l2g[e], l2b[e])
        z = z + w[:, e][:, None, None] * out
    logits = z @ oW + ob
    return logits, gate_probs

if __name__ == "__main__":
    import jax
    _d = setup_inputs()
    print(jax.jit(kernel)(*tuple(_d.values())))

</pallas_src>

<mosaic_0001>
module attributes {stable_mosaic.version = 14 : i64} {
  func.func @_router_krn(%arg0: memref<1x1xi32, #tpu.memory_space<smem>>, %arg1: memref<32x768xf32, #tpu.memory_space<vmem>>, %arg2: memref<32x256xf32, #tpu.memory_space<vmem>>, %arg3: memref<768x128xf32, #tpu.memory_space<vmem>>, %arg4: memref<1x128xf32, #tpu.memory_space<vmem>>, %arg5: memref<128x5xf32, #tpu.memory_space<vmem>>, %arg6: memref<1x5xf32, #tpu.memory_space<vmem>>, %arg7: memref<256x5xf32, #tpu.memory_space<vmem>>, %arg8: memref<1x5xf32, #tpu.memory_space<vmem>>, %arg9: memref<32x5xf32, #tpu.memory_space<vmem>>, %arg10: memref<32x5xf32, #tpu.memory_space<vmem>>) attributes {dimension_semantics = [], scalar_prefetch = 0 : i64, scratch_operands = 0 : i64, tpu.core_type = #tpu.core_type<tc>} {
    %get3A = arith.constant 0 : index
    %get3A_0 = arith.constant 0 : index
    %get3A_1 = vector.load %arg1[%get3A, %get3A_0] : memref<32x768xf32, #tpu.memory_space<vmem>>, vector<32x768xf32>
    %get3A_2 = arith.constant 0 : index
    %get3A_3 = arith.constant 0 : index
    %get3A_4 = vector.load %arg3[%get3A_2, %get3A_3] : memref<768x128xf32, #tpu.memory_space<vmem>>, vector<768x128xf32>
    %dot_general3A = arith.constant dense<0.000000e+00> : vector<32x128xf32>
    %dot_general3A_5 = tpu.matmul %get3A_1, %get3A_4, %dot_general3A {dimension_numbers = #tpu.dot_dimension_numbers<[1], [0], [0], [1], [0, 0, 1, 1], [], []>, transpose_lhs_hint = false} : vector<32x768xf32>, vector<768x128xf32>, vector<32x128xf32> -> vector<32x128xf32>
    %get3A_6 = arith.constant 0 : index
    %get3A_7 = arith.constant 0 : index
    %get3A_8 = vector.load %arg4[%get3A_6, %get3A_7] : memref<1x128xf32, #tpu.memory_space<vmem>>, vector<1x128xf32>
    %add3A = vector.broadcast %get3A_8 : vector<1x128xf32> to vector<32x128xf32>
    %add3A_9 = arith.addf %dot_general3A_5, %add3A : vector<32x128xf32>
    %max3A = arith.constant 0.000000e+00 : f32
    %max3A_10 = vector.broadcast %max3A : f32 to vector<32x128xf32>
    %max3A_11 = arith.maximumf %add3A_9, %max3A_10 : vector<32x128xf32>
    %get3A_12 = arith.constant 0 : index
    %get3A_13 = arith.constant 0 : index
    %get3A_14 = vector.load %arg5[%get3A_12, %get3A_13] : memref<128x5xf32, #tpu.memory_space<vmem>>, vector<128x5xf32>
    %dot_general3A_15 = arith.constant dense<0.000000e+00> : vector<32x5xf32>
    %dot_general3A_16 = tpu.matmul %max3A_11, %get3A_14, %dot_general3A_15 {dimension_numbers = #tpu.dot_dimension_numbers<[1], [0], [0], [1], [0, 0, 1, 1], [], []>, transpose_lhs_hint = false} : vector<32x128xf32>, vector<128x5xf32>, vector<32x5xf32> -> vector<32x5xf32>
    %get3A_17 = arith.constant 0 : index
    %get3A_18 = arith.constant 0 : index
    %get3A_19 = vector.load %arg6[%get3A_17, %get3A_18] : memref<1x5xf32, #tpu.memory_space<vmem>>, vector<1x5xf32>
    %add3A_20 = vector.broadcast %get3A_19 : vector<1x5xf32> to vector<32x5xf32>
    %add3A_21 = arith.addf %dot_general3A_16, %add3A_20 : vector<32x5xf32>
    %get3A_22 = arith.constant 0 : index
    %get3A_23 = arith.constant 0 : index
    %get3A_24 = vector.load %arg2[%get3A_22, %get3A_23] : memref<32x256xf32, #tpu.memory_space<vmem>>, vector<32x256xf32>
    %get3A_25 = arith.constant 0 : index
    %get3A_26 = arith.constant 0 : index
    %get3A_27 = vector.load %arg7[%get3A_25, %get3A_26] : memref<256x5xf32, #tpu.memory_space<vmem>>, vector<256x5xf32>
    %dot_general3A_28 = arith.constant dense<0.000000e+00> : vector<32x5xf32>
    %dot_general3A_29 = tpu.matmul %get3A_24, %get3A_27, %dot_general3A_28 {dimension_numbers = #tpu.dot_dimension_numbers<[1], [0], [0], [1], [0, 0, 1, 1], [], []>, transpose_lhs_hint = false} : vector<32x256xf32>, vector<256x5xf32>, vector<32x5xf32> -> vector<32x5xf32>
    %add3A_30 = arith.addf %add3A_21, %dot_general3A_29 : vector<32x5xf32>
    %get3A_31 = arith.constant 0 : index
    %get3A_32 = arith.constant 0 : index
    %get3A_33 = vector.load %arg8[%get3A_31, %get3A_32] : memref<1x5xf32, #tpu.memory_space<vmem>>, vector<1x5xf32>
    %add3A_34 = vector.broadcast %get3A_33 : vector<1x5xf32> to vector<32x5xf32>
    %add3A_35 = arith.addf %add3A_30, %add3A_34 : vector<32x5xf32>
    %reduce_max3A = arith.constant dense<0xFF800000> : vector<32xf32>
    %reduce_max3A_36 = vector.multi_reduction <maximumf>, %add3A_35, %reduce_max3A [1] : vector<32x5xf32> to vector<32xf32>
    %broadcast_in_dim3A = vector.shape_cast %reduce_max3A_36 : vector<32xf32> to vector<32x1xf32>
    %sub3A = vector.broadcast %broadcast_in_dim3A : vector<32x1xf32> to vector<32x5xf32>
    %sub3A_37 = arith.subf %add3A_35, %sub3A : vector<32x5xf32>
    %exp3A = math.exp %sub3A_37 : vector<32x5xf32>
    %reduce_sum3A = arith.constant dense<0.000000e+00> : vector<32xf32>
    %reduce_sum3A_38 = vector.multi_reduction <add>, %exp3A, %reduce_sum3A [1] : vector<32x5xf32> to vector<32xf32>
    %broadcast_in_dim3A_39 = vector.shape_cast %reduce_sum3A_38 : vector<32xf32> to vector<32x1xf32>
    %div3A = vector.broadcast %broadcast_in_dim3A_39 : vector<32x1xf32> to vector<32x5xf32>
    %div3A_40 = arith.divf %exp3A, %div3A : vector<32x5xf32>
    %swap3A = arith.constant 0 : index
    %swap3A_41 = arith.constant 0 : index
    %swap3A_42 = vector.load %arg9[%swap3A, %swap3A_41] : memref<32x5xf32, #tpu.memory_space<vmem>>, vector<32x5xf32>
    tpu.vector_store %arg9[%swap3A, %swap3A_41], %div3A_40 {strides = array<i32>} : memref<32x5xf32, #tpu.memory_space<vmem>>, vector<32x5xf32>,
    %iota3A = tpu.iota {dimensions = array<i32: 1>} : vector<32x5xi32>
    %reduce_max3A_43 = arith.constant dense<0xFF800000> : vector<32xf32>
    %reduce_max3A_44 = vector.multi_reduction <maximumf>, %div3A_40, %reduce_max3A_43 [1] : vector<32x5xf32> to vector<32xf32>
    %broadcast_in_dim3A_45 = vector.shape_cast %reduce_max3A_44 : vector<32xf32> to vector<32x1xf32>
    %eq3A = vector.broadcast %broadcast_in_dim3A_45 : vector<32x1xf32> to vector<32x5xf32>
    %eq3A_46 = arith.cmpf oeq, %div3A_40, %eq3A : vector<32x5xf32>
    %jit3A = arith.constant 5 : i32
    %broadcast_in_dim3A_47 = vector.broadcast %jit3A : i32 to vector<32x5xi32>
    %select_n3A = arith.select %eq3A_46, %iota3A, %broadcast_in_dim3A_47 : vector<32x5xi1>, vector<32x5xi32>
    %reduce_min3A = arith.constant dense<2147483647> : vector<32xi32>
    %reduce_min3A_48 = vector.multi_reduction <minsi>, %select_n3A, %reduce_min3A [1] : vector<32x5xi32> to vector<32xi32>
    %broadcast_in_dim3A_49 = vector.shape_cast %reduce_min3A_48 : vector<32xi32> to vector<32x1xi32>
    %eq3A_50 = vector.broadcast %broadcast_in_dim3A_49 : vector<32x1xi32> to vector<32x5xi32>
    %eq3A_51 = arith.cmpi eq, %iota3A, %eq3A_50 : vector<32x5xi32>
    %convert_element_type3A = arith.extui %eq3A_51 : vector<32x5xi1> to vector<32x5xi32>
    %convert_element_type3A_52 = arith.sitofp %convert_element_type3A : vector<32x5xi32> to vector<32x5xf32>
    %eq3A_53 = vector.broadcast %broadcast_in_dim3A_49 : vector<32x1xi32> to vector<32x5xi32>
    %eq3A_54 = arith.cmpi eq, %iota3A, %eq3A_53 : vector<32x5xi32>
    %jit3A_55 = arith.constant 0xFF800000 : f32
    %broadcast_in_dim3A_56 = vector.broadcast %jit3A_55 : f32 to vector<32x5xf32>
    %select_n3A_57 = arith.select %eq3A_54, %broadcast_in_dim3A_56, %div3A_40 : vector<32x5xi1>, vector<32x5xf32>
    %reduce_max3A_58 = arith.constant dense<0xFF800000> : vector<32xf32>
    %reduce_max3A_59 = vector.multi_reduction <maximumf>, %select_n3A_57, %reduce_max3A_58 [1] : vector<32x5xf32> to vector<32xf32>
    %broadcast_in_dim3A_60 = vector.shape_cast %reduce_max3A_59 : vector<32xf32> to vector<32x1xf32>
    %eq3A_61 = vector.broadcast %broadcast_in_dim3A_60 : vector<32x1xf32> to vector<32x5xf32>
    %eq3A_62 = arith.cmpf oeq, %select_n3A_57, %eq3A_61 : vector<32x5xf32>
    %jit3A_63 = arith.constant 5 : i32
    %broadcast_in_dim3A_64 = vector.broadcast %jit3A_63 : i32 to vector<32x5xi32>
    %select_n3A_65 = arith.select %eq3A_62, %iota3A, %broadcast_in_dim3A_64 : vector<32x5xi1>, vector<32x5xi32>
    %reduce_min3A_66 = arith.constant dense<2147483647> : vector<32xi32>
    %reduce_min3A_67 = vector.multi_reduction <minsi>, %select_n3A_65, %reduce_min3A_66 [1] : vector<32x5xi32> to vector<32xi32>
    %broadcast_in_dim3A_68 = vector.shape_cast %reduce_min3A_67 : vector<32xi32> to vector<32x1xi32>
    %eq3A_69 = vector.broadcast %broadcast_in_dim3A_68 : vector<32x1xi32> to vector<32x5xi32>
    %eq3A_70 = arith.cmpi eq, %iota3A, %eq3A_69 : vector<32x5xi32>
    %convert_element_type3A_71 = arith.extui %eq3A_70 : vector<32x5xi1> to vector<32x5xi32>
    %convert_element_type3A_72 = arith.sitofp %convert_element_type3A_71 : vector<32x5xi32> to vector<32x5xf32>
    %gt3A = arith.constant 0.699999988 : f32
    %gt3A_73 = vector.broadcast %gt3A : f32 to vector<32x1xf32>
    %gt3A_74 = arith.cmpf ogt, %broadcast_in_dim3A_45, %gt3A_73 : vector<32x1xf32>
    %convert_element_type3A_75 = arith.extui %gt3A_74 : vector<32x1xi1> to vector<32x1xi32>
    %reduce_min3A_76 = vector.shape_cast %convert_element_type3A_75 : vector<32x1xi32> to vector<1x32x1xi32>
    %reduce_min3A_77 = arith.constant dense<2147483647> : vector<1xi32>
    %reduce_min3A_78 = vector.multi_reduction <minsi>, %reduce_min3A_76, %reduce_min3A_77 [1, 2] : vector<1x32x1xi32> to vector<1xi32>
    %reduce_min3A_79 = vector.shape_cast %reduce_min3A_78 : vector<1xi32> to vector<1x1x1xi32>
    %reduce_min3A_80 = vector.extract %reduce_min3A_79[0, 0, 0] : i32 from vector<1x1x1xi32>
    %eq3A_81 = arith.constant 1 : i32
    %eq3A_82 = arith.cmpi eq, %reduce_min3A_80, %eq3A_81 : i32
    %get3A_83 = arith.constant 0 : index
    %get3A_84 = arith.constant 0 : index
    %get3A_85 = memref.load %arg0[%get3A_83, %get3A_84] : memref<1x1xi32, #tpu.memory_space<smem>>
    %jit3A_86 = arith.constant 1 : i32
    %select_n3A_87 = arith.select %eq3A_82, %jit3A_86, %get3A_85 : i32
    %ge3A = arith.constant 2 : i32
    %ge3A_88 = arith.cmpi sge, %select_n3A_87, %ge3A : i32
    %convert_element_type3A_89 = arith.extui %ge3A_88 : i1 to i32
    %convert_element_type3A_90 = arith.sitofp %convert_element_type3A_89 : i32 to f32
    %mul3A = vector.broadcast %broadcast_in_dim3A_45 : vector<32x1xf32> to vector<32x5xf32>
    %mul3A_91 = arith.mulf %mul3A, %convert_element_type3A_52 : vector<32x5xf32>
    %mul3A_92 = vector.broadcast %convert_element_type3A_90 : f32 to vector<32x1xf32>
    %mul3A_93 = arith.mulf %mul3A_92, %broadcast_in_dim3A_60 : vector<32x1xf32>
    %mul3A_94 = vector.broadcast %mul3A_93 : vector<32x1xf32> to vector<32x5xf32>
    %mul3A_95 = arith.mulf %mul3A_94, %convert_element_type3A_72 : vector<32x5xf32>
    %add3A_96 = arith.addf %mul3A_91, %mul3A_95 : vector<32x5xf32>
    %swap3A_97 = arith.constant 0 : index
    %swap3A_98 = arith.constant 0 : index
    %swap3A_99 = vector.load %arg10[%swap3A_97, %swap3A_98] : memref<32x5xf32, #tpu.memory_space<vmem>>, vector<32x5xf32>
    tpu.vector_store %arg10[%swap3A_97, %swap3A_98], %add3A_96 {strides = array<i32>} : memref<32x5xf32, #tpu.memory_space<vmem>>, vector<32x5xf32>,
    return
  }
}

module attributes {stable_mosaic.version = 14 : i64} {
  func.func @_expert_krn(%arg0: i32, %arg1: memref<1120x256xf32, #tpu.memory_space<vmem>>, %arg2: memref<32x5xf32, #tpu.memory_space<vmem>>, %arg3: memref<1x64x256xf32, #tpu.memory_space<vmem>>, %arg4: memref<1x1x256xf32, #tpu.memory_space<vmem>>, %arg5: memref<1x1x256xf32, #tpu.memory_space<vmem>>, %arg6: memref<1x256x256xf32, #tpu.memory_space<vmem>>, %arg7: memref<1x1x256xf32, #tpu.memory_space<vmem>>, %arg8: memref<1x256x256xf32, #tpu.memory_space<vmem>>, %arg9: memref<1x1x256xf32, #tpu.memory_space<vmem>>, %arg10: memref<1x256x256xf32, #tpu.memory_space<vmem>>, %arg11: memref<1x1x256xf32, #tpu.memory_space<vmem>>, %arg12: memref<1x256x256xf32, #tpu.memory_space<vmem>>, %arg13: memref<1x1x256xf32, #tpu.memory_space<vmem>>, %arg14: memref<1x1x256xf32, #tpu.memory_space<vmem>>, %arg15: memref<1x1x256xf32, #tpu.memory_space<vmem>>, %arg16: memref<1x256x1024xf32, #tpu.memory_space<vmem>>, %arg17: memref<1x1x1024xf32, #tpu.memory_space<vmem>>, %arg18: memref<1x1024x256xf32, #tpu.memory_space<vmem>>, %arg19: memref<1x1x256xf32, #tpu.memory_space<vmem>>, %arg20: memref<1x1x256xf32, #tpu.memory_space<vmem>>, %arg21: memref<1x1x256xf32, #tpu.memory_space<vmem>>, %arg22: memref<1120x256xf32, #tpu.memory_space<vmem>>) attributes {dimension_semantics = [#tpu.dimension_semantics<arbitrary>], iteration_bounds = array<i64: 5>, scalar_prefetch = 0 : i64, scratch_operands = 0 : i64, tpu.core_type = #tpu.core_type<tc>, window_params = [{pipeline_mode = #tpu.pipeline_mode<synchronous>, transform_indices = @transform_0, window_bounds = array<i64: 1120, 256>}, {pipeline_mode = #tpu.pipeline_mode<synchronous>, transform_indices = @transform_1, window_bounds = array<i64: 32, 5>}, {transform_indices = @transform_2, window_bounds = array<i64: 1, 64, 256>}, {transform_indices = @transform_3, window_bounds = array<i64: 1, 1, 256>}, {transform_indices = @transform_4, window_bounds = array<i64: 1, 1, 256>}, {transform_indices = @transform_5, window_bounds = array<i64: 1, 256, 256>}, {transform_indices = @transform_6, window_bounds = array<i64: 1, 1, 256>}, {transform_indices = @transform_7, window_bounds = array<i64: 1, 256, 256>}, {transform_indices = @transform_8, window_bounds = array<i64: 1, 1, 256>}, {transform_indices = @transform_9, window_bounds = array<i64: 1, 256, 256>}, {transform_indices = @transform_10, window_bounds = array<i64: 1, 1, 256>}, {transform_indices = @transform_11, window_bounds = array<i64: 1, 256, 256>}, {transform_indices = @transform_12, window_bounds = array<i64: 1, 1, 256>}, {transform_indices = @transform_13, window_bounds = array<i64: 1, 1, 256>}, {transform_indices = @transform_14, window_bounds = array<i64: 1, 1, 256>}, {transform_indices = @transform_15, window_bounds = array<i64: 1, 256, 1024>}, {transform_indices = @transform_16, window_bounds = array<i64: 1, 1, 1024>}, {transform_indices = @transform_17, window_bounds = array<i64: 1, 1024, 256>}, {transform_indices = @transform_18, window_bounds = array<i64: 1, 1, 256>}, {transform_indices = @transform_19, window_bounds = array<i64: 1, 1, 256>}, {transform_indices = @transform_20, window_bounds = array<i64: 1, 1, 256>}, {pipeline_mode = #tpu.pipeline_mode<synchronous>, transform_indices = @transform_21, window_bounds = array<i64: 1120, 256>}]} {
    %get3A = arith.constant 0 : index
    %get3A_0 = arith.constant 0 : index
    %get3A_1 = vector.load %arg1[%get3A, %get3A_0] : memref<1120x256xf32, #tpu.memory_space<vmem>>, vector<1120x256xf32>
    %iota3A = tpu.iota {dimensions = array<i32: 0>} : vector<1120x64xi32>
    %iota3A_2 = tpu.iota {dimensions = array<i32: 1>} : vector<1120x64xi32>
    %jit3A = arith.constant 35 : i32
    %eq3A = arith.constant 0 : i32
    %eq3A_3 = arith.cmpi eq, %jit3A, %eq3A : i32
    %jit3A_4 = arith.constant 1 : i32
    %select_n3A = arith.select %eq3A_3, %jit3A_4, %jit3A : i32
    %rem3A = vector.broadcast %select_n3A : i32 to vector<1120x64xi32>
    %rem3A_5 = arith.remsi %iota3A, %rem3A : vector<1120x64xi32>
    %ne3A = arith.constant 0 : i32
    %ne3A_6 = vector.broadcast %ne3A : i32 to vector<1120x64xi32>
    %ne3A_7 = arith.cmpi ne, %rem3A_5, %ne3A_6 : vector<1120x64xi32>
    %lt3A = arith.constant 0 : i32
    %lt3A_8 = vector.broadcast %lt3A : i32 to vector<1120x64xi32>
    %lt3A_9 = arith.cmpi slt, %rem3A_5, %lt3A_8 : vector<1120x64xi32>
    %lt3A_10 = arith.constant 0 : i32
    %lt3A_11 = arith.cmpi slt, %select_n3A, %lt3A_10 : i32
    %ne3A_12 = vector.broadcast %lt3A_11 : i1 to vector<1120x64xi1>
    %ne3A_13 = vector.broadcast %ne3A_12 : vector<1120x64xi1> to vector<1120x64xi1>
    %ne3A_14 = arith.xori %lt3A_9, %ne3A_13 : vector<1120x64xi1>
    %and3A = arith.andi %ne3A_14, %ne3A_7 : vector<1120x64xi1>
    %add3A = vector.broadcast %select_n3A : i32 to vector<1120x64xi32>
    %add3A_15 = arith.addi %rem3A_5, %add3A : vector<1120x64xi32>
    %select_n3A_16 = arith.select %and3A, %add3A_15, %rem3A_5 : vector<1120x64xi1>, vector<1120x64xi32>
    %eq3A_17 = arith.cmpi eq, %select_n3A_16, %iota3A_2 : vector<1120x64xi32>
    %convert_element_type3A = arith.extui %eq3A_17 : vector<1120x64xi1> to vector<1120x64xi32>
    %convert_element_type3A_18 = arith.sitofp %convert_element_type3A : vector<1120x64xi32> to vector<1120x64xf32>
    %get3A_19 = arith.constant 0 : index
    %get3A_20 = arith.constant 0 : index
    %get3A_21 = arith.constant 0 : index
    %get3A_22 = vector.load %arg3[%get3A_19, %get3A_20, %get3A_21] : memref<1x64x256xf32, #tpu.memory_space<vmem>>, vector<1x64x256xf32>
    %get3A_23 = vector.shape_cast %get3A_22 : vector<1x64x256xf32> to vector<64x256xf32>
    %dot_general3A = arith.constant dense<0.000000e+00> : vector<1120x256xf32>
    %dot_general3A_24 = tpu.matmul %convert_element_type3A_18, %get3A_23, %dot_general3A {dimension_numbers = #tpu.dot_dimension_numbers<[1], [0], [0], [1], [0, 0, 1, 1], [], []>, transpose_lhs_hint = false} : vector<1120x64xf32>, vector<64x256xf32>, vector<1120x256xf32> -> vector<1120x256xf32>
    %add3A_25 = arith.addf %get3A_1, %dot_general3A_24 : vector<1120x256xf32>
    %get3A_26 = arith.constant 0 : index
    %get3A_27 = arith.constant 0 : index
    %get3A_28 = arith.constant 0 : index
    %get3A_29 = vector.load %arg4[%get3A_26, %get3A_27, %get3A_28] : memref<1x1x256xf32, #tpu.memory_space<vmem>>, vector<1x1x256xf32>
    %get3A_30 = vector.shape_cast %get3A_29 : vector<1x1x256xf32> to vector<1x256xf32>
    %get3A_31 = arith.constant 0 : index
    %get3A_32 = arith.constant 0 : index
    %get3A_33 = arith.constant 0 : index
    %get3A_34 = vector.load %arg5[%get3A_31, %get3A_32, %get3A_33] : memref<1x1x256xf32, #tpu.memory_space<vmem>>, vector<1x1x256xf32>
    %get3A_35 = vector.shape_cast %get3A_34 : vector<1x1x256xf32> to vector<1x256xf32>
    %reduce_sum3A = arith.constant dense<0.000000e+00> : vector<1120xf32>
    %reduce_sum3A_36 = vector.multi_reduction <add>, %add3A_25, %reduce_sum3A [1] : vector<1120x256xf32> to vector<1120xf32>
    %broadcast_in_dim3A = vector.shape_cast %reduce_sum3A_36 : vector<1120xf32> to vector<1120x1xf32>
    %div3A = arith.constant 2.560000e+02 : f32
    %div3A_37 = vector.broadcast %div3A : f32 to vector<1120x1xf32>
    %div3A_38 = arith.divf %broadcast_in_dim3A, %div3A_37 : vector<1120x1xf32>
    %sub3A = vector.broadcast %div3A_38 : vector<1120x1xf32> to vector<1120x256xf32>
    %sub3A_39 = arith.subf %add3A_25, %sub3A : vector<1120x256xf32>
    %mul3A = arith.mulf %sub3A_39, %sub3A_39 : vector<1120x256xf32>
    %reduce_sum3A_40 = arith.constant dense<0.000000e+00> : vector<1120xf32>
    %reduce_sum3A_41 = vector.multi_reduction <add>, %mul3A, %reduce_sum3A_40 [1] : vector<1120x256xf32> to vector<1120xf32>
    %broadcast_in_dim3A_42 = vector.shape_cast %reduce_sum3A_41 : vector<1120xf32> to vector<1120x1xf32>
    %div3A_43 = arith.constant 2.560000e+02 : f32
    %div3A_44 = vector.broadcast %div3A_43 : f32 to vector<1120x1xf32>
    %div3A_45 = arith.divf %broadcast_in_dim3A_42, %div3A_44 : vector<1120x1xf32>
    %add3A_46 = arith.constant 9.99999996E-13 : f32
    %add3A_47 = vector.broadcast %add3A_46 : f32 to vector<1120x1xf32>
    %add3A_48 = arith.addf %div3A_45, %add3A_47 : vector<1120x1xf32>
    %rsqrt3A = math.rsqrt %add3A_48 : vector<1120x1xf32>
    %mul3A_49 = vector.broadcast %rsqrt3A : vector<1120x1xf32> to vector<1120x256xf32>
    %mul3A_50 = arith.mulf %sub3A_39, %mul3A_49 : vector<1120x256xf32>
    %mul3A_51 = vector.broadcast %get3A_30 : vector<1x256xf32> to vector<1120x256xf32>
    %mul3A_52 = arith.mulf %mul3A_50, %mul3A_51 : vector<1120x256xf32>
    %add3A_53 = vector.broadcast %get3A_35 : vector<1x256xf32> to vector<1120x256xf32>
    %add3A_54 = arith.addf %mul3A_52, %add3A_53 : vector<1120x256xf32>
    %get3A_55 = arith.constant 0 : index
    %get3A_56 = arith.constant 0 : index
    %get3A_57 = arith.constant 0 : index
    %get3A_58 = vector.load %arg6[%get3A_55, %get3A_56, %get3A_57] : memref<1x256x256xf32, #tpu.memory_space<vmem>>, vector<1x256x256xf32>
    %get3A_59 = vector.shape_cast %get3A_58 : vector<1x256x256xf32> to vector<256x256xf32>
    %dot_general3A_60 = arith.constant dense<0.000000e+00> : vector<1120x256xf32>
    %dot_general3A_61 = tpu.matmul %add3A_54, %get3A_59, %dot_general3A_60 {dimension_numbers = #tpu.dot_dimension_numbers<[1], [0], [0], [1], [0, 0, 1, 1], [], []>, transpose_lhs_hint = false} : vector<1120x256xf32>, vector<256x256xf32>, vector<1120x256xf32> -> vector<1120x256xf32>
    %get3A_62 = arith.constant 0 : index
    %get3A_63 = arith.constant 0 : index
    %get3A_64 = arith.constant 0 : index
    %get3A_65 = vector.load %arg7[%get3A_62, %get3A_63, %get3A_64] : memref<1x1x256xf32, #tpu.memory_space<vmem>>, vector<1x1x256xf32>
    %get3A_66 = vector.shape_cast %get3A_65 : vector<1x1x256xf32> to vector<1x256xf32>
    %add3A_67 = vector.broadcast %get3A_66 : vector<1x256xf32> to vector<1120x256xf32>
    %add3A_68 = arith.addf %dot_general3A_61, %add3A_67 : vector<1120x256xf32>
    %get3A_69 = arith.constant 0 : index
    %get3A_70 = arith.constant 0 : index
    %get3A_71 = arith.constant 0 : index
    %get3A_72 = vector.load %arg8[%get3A_69, %get3A_70, %get3A_71] : memref<1x256x256xf32, #tpu.memory_space<vmem>>, vector<1x256x256xf32>
    %get3A_73 = vector.shape_cast %get3A_72 : vector<1x256x256xf32> to vector<256x256xf32>
    %dot_general3A_74 = arith.constant dense<0.000000e+00> : vector<1120x256xf32>
    %dot_general3A_75 = tpu.matmul %add3A_54, %get3A_73, %dot_general3A_74 {dimension_numbers = #tpu.dot_dimension_numbers<[1], [0], [0], [1], [0, 0, 1, 1], [], []>, transpose_lhs_hint = false} : vector<1120x256xf32>, vector<256x256xf32>, vector<1120x256xf32> -> vector<1120x256xf32>
    %get3A_76 = arith.constant 0 : index
    %get3A_77 = arith.constant 0 : index
    %get3A_78 = arith.constant 0 : index
    %get3A_79 = vector.load %arg9[%get3A_76, %get3A_77, %get3A_78] : memref<1x1x256xf32, #tpu.memory_space<vmem>>, vector<1x1x256xf32>
    %get3A_80 = vector.shape_cast %get3A_79 : vector<1x1x256xf32> to vector<1x256xf32>
    %add3A_81 = vector.broadcast %get3A_80 : vector<1x256xf32> to vector<1120x256xf32>
    %add3A_82 = arith.addf %dot_general3A_75, %add3A_81 : vector<1120x256xf32>
    %get3A_83 = arith.constant 0 : index
    %get3A_84 = arith.constant 0 : index
    %get3A_85 = arith.constant 0 : index
    %get3A_86 = vector.load %arg10[%get3A_83, %get3A_84, %get3A_85] : memref<1x256x256xf32, #tpu.memory_space<vmem>>, vector<1x256x256xf32>
    %get3A_87 = vector.shape_cast %get3A_86 : vector<1x256x256xf32> to vector<256x256xf32>
    %dot_general3A_88 = arith.constant dense<0.000000e+00> : vector<1120x256xf32>
    %dot_general3A_89 = tpu.matmul %add3A_54, %get3A_87, %dot_general3A_88 {dimension_numbers = #tpu.dot_dimension_numbers<[1], [0], [0], [1], [0, 0, 1, 1], [], []>, transpose_lhs_hint = false} : vector<1120x256xf32>, vector<256x256xf32>, vector<1120x256xf32> -> vector<1120x256xf32>
    %get3A_90 = arith.constant 0 : index
    %get3A_91 = arith.constant 0 : index
    %get3A_92 = arith.constant 0 : index
    %get3A_93 = vector.load %arg11[%get3A_90, %get3A_91, %get3A_92] : memref<1x1x256xf32, #tpu.memory_space<vmem>>, vector<1x1x256xf32>
    %get3A_94 = vector.shape_cast %get3A_93 : vector<1x1x256xf32> to vector<1x256xf32>
    %add3A_95 = vector.broadcast %get3A_94 : vector<1x256xf32> to vector<1120x256xf32>
    %add3A_96 = arith.addf %dot_general3A_89, %add3A_95 : vector<1120x256xf32>
    %iota3A_97 = tpu.iota {dimensions = array<i32: 0>} : vector<1120x1xi32>
    %jit3A_98 = arith.constant 35 : i32
    %div3A_99 = vector.broadcast %jit3A_98 : i32 to vector<1120x1xi32>
    %div3A_100 = arith.divsi %iota3A_97, %div3A_99 : vector<1120x1xi32>
    %sign3A = arith.constant 0 : i32
    %sign3A_101 = vector.broadcast %sign3A : i32 to vector<1120x1xi32>
    %sign3A_102 = arith.cmpi sgt, %iota3A_97, %sign3A_101 : vector<1120x1xi32>
    %sign3A_103 = arith.extui %sign3A_102 : vector<1120x1xi1> to vector<1120x1xi32>
    %sign3A_104 = arith.constant 0 : i32
    %sign3A_105 = vector.broadcast %sign3A_104 : i32 to vector<1120x1xi32>
    %sign3A_106 = arith.cmpi slt, %iota3A_97, %sign3A_105 : vector<1120x1xi32>
    %sign3A_107 = arith.extui %sign3A_106 : vector<1120x1xi1> to vector<1120x1xi32>
    %sign3A_108 = arith.subi %sign3A_103, %sign3A_107 : vector<1120x1xi32>
    %sign3A_109 = arith.constant 0 : i32
    %sign3A_110 = arith.cmpi sgt, %jit3A_98, %sign3A_109 : i32
    %sign3A_111 = arith.extui %sign3A_110 : i1 to i32
    %sign3A_112 = arith.constant 0 : i32
    %sign3A_113 = arith.cmpi slt, %jit3A_98, %sign3A_112 : i32
    %sign3A_114 = arith.extui %sign3A_113 : i1 to i32
    %sign3A_115 = arith.subi %sign3A_111, %sign3A_114 : i32
    %ne3A_116 = vector.broadcast %sign3A_115 : i32 to vector<1120x1xi32>
    %ne3A_117 = arith.cmpi ne, %sign3A_108, %ne3A_116 : vector<1120x1xi32>
    %rem3A_118 = vector.broadcast %jit3A_98 : i32 to vector<1120x1xi32>
    %rem3A_119 = arith.remsi %iota3A_97, %rem3A_118 : vector<1120x1xi32>
    %ne3A_120 = arith.constant 0 : i32
    %ne3A_121 = vector.broadcast %ne3A_120 : i32 to vector<1120x1xi32>
    %ne3A_122 = arith.cmpi ne, %rem3A_119, %ne3A_121 : vector<1120x1xi32>
    %and3A_123 = arith.andi %ne3A_117, %ne3A_122 : vector<1120x1xi1>
    %sub3A_124 = arith.constant 1 : i32
    %sub3A_125 = vector.broadcast %sub3A_124 : i32 to vector<1120x1xi32>
    %sub3A_126 = arith.subi %div3A_100, %sub3A_125 : vector<1120x1xi32>
    %select_n3A_127 = arith.select %and3A_123, %sub3A_126, %div3A_100 : vector<1120x1xi1>, vector<1120x1xi32>
    %iota3A_128 = tpu.iota {dimensions = array<i32: 1>} : vector<1x1120xi32>
    %jit3A_129 = arith.constant 35 : i32
    %div3A_130 = vector.broadcast %jit3A_129 : i32 to vector<1x1120xi32>
    %div3A_131 = arith.divsi %iota3A_128, %div3A_130 : vector<1x1120xi32>
    %sign3A_132 = arith.constant 0 : i32
    %sign3A_133 = vector.broadcast %sign3A_132 : i32 to vector<1x1120xi32>
    %sign3A_134 = arith.cmpi sgt, %iota3A_128, %sign3A_133 : vector<1x1120xi32>
    %sign3A_135 = arith.extui %sign3A_134 : vector<1x1120xi1> to vector<1x1120xi32>
    %sign3A_136 = arith.constant 0 : i32
    %sign3A_137 = vector.broadcast %sign3A_136 : i32 to vector<1x1120xi32>
    %sign3A_138 = arith.cmpi slt, %iota3A_128, %sign3A_137 : vector<1x1120xi32>
    %sign3A_139 = arith.extui %sign3A_138 : vector<1x1120xi1> to vector<1x1120xi32>
    %sign3A_140 = arith.subi %sign3A_135, %sign3A_139 : vector<1x1120xi32>
    %sign3A_141 = arith.constant 0 : i32
    %sign3A_142 = arith.cmpi sgt, %jit3A_129, %sign3A_141 : i32
    %sign3A_143 = arith.extui %sign3A_142 : i1 to i32
    %sign3A_144 = arith.constant 0 : i32
    %sign3A_145 = arith.cmpi slt, %jit3A_129, %sign3A_144 : i32
    %sign3A_146 = arith.extui %sign3A_145 : i1 to i32
    %sign3A_147 = arith.subi %sign3A_143, %sign3A_146 : i32
    %ne3A_148 = vector.broadcast %sign3A_147 : i32 to vector<1x1120xi32>
    %ne3A_149 = arith.cmpi ne, %sign3A_140, %ne3A_148 : vector<1x1120xi32>
    %rem3A_150 = vector.broadcast %jit3A_129 : i32 to vector<1x1120xi32>
    %rem3A_151 = arith.remsi %iota3A_128, %rem3A_150 : vector<1x1120xi32>
    %ne3A_152 = arith.constant 0 : i32
    %ne3A_153 = vector.broadcast %ne3A_152 : i32 to vector<1x1120xi32>
    %ne3A_154 = arith.cmpi ne, %rem3A_151, %ne3A_153 : vector<1x1120xi32>
    %and3A_155 = arith.andi %ne3A_149, %ne3A_154 : vector<1x1120xi1>
    %sub3A_156 = arith.constant 1 : i32
    %sub3A_157 = vector.broadcast %sub3A_156 : i32 to vector<1x1120xi32>
    %sub3A_158 = arith.subi %div3A_131, %sub3A_157 : vector<1x1120xi32>
    %select_n3A_159 = arith.select %and3A_155, %sub3A_158, %div3A_131 : vector<1x1120xi1>, vector<1x1120xi32>
    %eq3A_160 = vector.broadcast %select_n3A_127 : vector<1120x1xi32> to vector<1120x1120xi32>
    %eq3A_161 = vector.broadcast %select_n3A_159 : vector<1x1120xi32> to vector<1120x1120xi32>
    %eq3A_162 = arith.cmpi eq, %eq3A_160, %eq3A_161 : vector<1120x1120xi32>
    %jit3A_163 = arith.constant 0.000000e+00 : f32
    %jit3A_164 = arith.constant -1.000000e+30 : f32
    %broadcast_in_dim3A_165 = vector.broadcast %jit3A_163 : f32 to vector<1120x1120xf32>
    %broadcast_in_dim3A_166 = vector.broadcast %jit3A_164 : f32 to vector<1120x1120xf32>
    %select_n3A_167 = arith.select %eq3A_162, %broadcast_in_dim3A_165, %broadcast_in_dim3A_166 : vector<1120x1120xi1>, vector<1120x1120xf32>
    %slice3A = vector.extract_strided_slice %add3A_68 {offsets = [0, 0], sizes = [1120, 32], strides = [1, 1]} : vector<1120x256xf32> to vector<1120x32xf32>
    %slice3A_168 = vector.extract_strided_slice %add3A_82 {offsets = [0, 0], sizes = [1120, 32], strides = [1, 1]} : vector<1120x256xf32> to vector<1120x32xf32>
    %slice3A_169 = vector.extract_strided_slice %add3A_96 {offsets = [0, 0], sizes = [1120, 32], strides = [1, 1]} : vector<1120x256xf32> to vector<1120x32xf32>
    %dot_general3A_170 = arith.constant dense<0.000000e+00> : vector<1120x1120xf32>
    %dot_general3A_171 = tpu.matmul %slice3A, %slice3A_168, %dot_general3A_170 {dimension_numbers = #tpu.dot_dimension_numbers<[1], [1], [0], [0], [0, 0, 1, 0], [], []>, transpose_lhs_hint = false} : vector<1120x32xf32>, vector<1120x32xf32>, vector<1120x1120xf32> -> vector<1120x1120xf32>
    %mul3A_172 = arith.constant 0.176776692 : f32
    %mul3A_173 = vector.broadcast %mul3A_172 : f32 to vector<1120x1120xf32>
    %mul3A_174 = arith.mulf %dot_general3A_171, %mul3A_173 : vector<1120x1120xf32>
    %add3A_175 = arith.addf %mul3A_174, %select_n3A_167 : vector<1120x1120xf32>
    %reduce_max3A = arith.constant dense<0xFF800000> : vector<1120xf32>
    %reduce_max3A_176 = vector.multi_reduction <maximumf>, %add3A_175, %reduce_max3A [1] : vector<1120x1120xf32> to vector<1120xf32>
    %broadcast_in_dim3A_177 = vector.shape_cast %reduce_max3A_176 : vector<1120xf32> to vector<1120x1xf32>
    %sub3A_178 = vector.broadcast %broadcast_in_dim3A_177 : vector<1120x1xf32> to vector<1120x1120xf32>
    %sub3A_179 = arith.subf %add3A_175, %sub3A_178 : vector<1120x1120xf32>
    %exp3A = math.exp %sub3A_179 : vector<1120x1120xf32>
    %reduce_sum3A_180 = arith.constant dense<0.000000e+00> : vector<1120xf32>
    %reduce_sum3A_181 = vector.multi_reduction <add>, %exp3A, %reduce_sum3A_180 [1] : vector<1120x1120xf32> to vector<1120xf32>
    %broadcast_in_dim3A_182 = vector.shape_cast %reduce_sum3A_181 : vector<1120xf32> to vector<1120x1xf32>
    %div3A_183 = vector.broadcast %broadcast_in_dim3A_182 : vector<1120x1xf32> to vector<1120x1120xf32>
    %div3A_184 = arith.divf %exp3A, %div3A_183 : vector<1120x1120xf32>
    %dot_general3A_185 = arith.constant dense<0.000000e+00> : vector<1120x32xf32>
    %dot_general3A_186 = tpu.matmul %div3A_184, %slice3A_169, %dot_general3A_185 {dimension_numbers = #tpu.dot_dimension_numbers<[1], [0], [0], [1], [0, 0, 1, 1], [], []>, transpose_lhs_hint = false} : vector<1120x1120xf32>, vector<1120x32xf32>, vector<1120x32xf32> -> vector<1120x32xf32>
    %slice3A_187 = vector.extract_strided_slice %add3A_68 {offsets = [0, 32], sizes = [1120, 32], strides = [1, 1]} : vector<1120x256xf32> to vector<1120x32xf32>
    %slice3A_188 = vector.extract_strided_slice %add3A_82 {offsets = [0, 32], sizes = [1120, 32], strides = [1, 1]} : vector<1120x256xf32> to vector<1120x32xf32>
    %slice3A_189 = vector.extract_strided_slice %add3A_96 {offsets = [0, 32], sizes = [1120, 32], strides = [1, 1]} : vector<1120x256xf32> to vector<1120x32xf32>
    %dot_general3A_190 = arith.constant dense<0.000000e+00> : vector<1120x1120xf32>
    %dot_general3A_191 = tpu.matmul %slice3A_187, %slice3A_188, %dot_general3A_190 {dimension_numbers = #tpu.dot_dimension_numbers<[1], [1], [0], [0], [0, 0, 1, 0], [], []>, transpose_lhs_hint = false} : vector<1120x32xf32>, vector<1120x32xf32>, vector<1120x1120xf32> -> vector<1120x1120xf32>
    %mul3A_192 = arith.constant 0.176776692 : f32
    %mul3A_193 = vector.broadcast %mul3A_192 : f32 to vector<1120x1120xf32>
    %mul3A_194 = arith.mulf %dot_general3A_191, %mul3A_193 : vector<1120x1120xf32>
    %add3A_195 = arith.addf %mul3A_194, %select_n3A_167 : vector<1120x1120xf32>
    %reduce_max3A_196 = arith.constant dense<0xFF800000> : vector<1120xf32>
    %reduce_max3A_197 = vector.multi_reduction <maximumf>, %add3A_195, %reduce_max3A_196 [1] : vector<1120x1120xf32> to vector<1120xf32>
    %broadcast_in_dim3A_198 = vector.shape_cast %reduce_max3A_197 : vector<1120xf32> to vector<1120x1xf32>
    %sub3A_199 = vector.broadcast %broadcast_in_dim3A_198 : vector<1120x1xf32> to vector<1120x1120xf32>
    %sub3A_200 = arith.subf %add3A_195, %sub3A_199 : vector<1120x1120xf32>
    %exp3A_201 = math.exp %sub3A_200 : vector<1120x1120xf32>
    %reduce_sum3A_202 = arith.constant dense<0.000000e+00> : vector<1120xf32>
    %reduce_sum3A_203 = vector.multi_reduction <add>, %exp3A_201, %reduce_sum3A_202 [1] : vector<1120x1120xf32> to vector<1120xf32>
    %broadcast_in_dim3A_204 = vector.shape_cast %reduce_sum3A_203 : vector<1120xf32> to vector<1120x1xf32>
    %div3A_205 = vector.broadcast %broadcast_in_dim3A_204 : vector<1120x1xf32> to vector<1120x1120xf32>
    %div3A_206 = arith.divf %exp3A_201, %div3A_205 : vector<1120x1120xf32>
    %dot_general3A_207 = arith.constant dense<0.000000e+00> : vector<1120x32xf32>
    %dot_general3A_208 = tpu.matmul %div3A_206, %slice3A_189, %dot_general3A_207 {dimension_numbers = #tpu.dot_dimension_numbers<[1], [0], [0], [1], [0, 0, 1, 1], [], []>, transpose_lhs_hint = false} : vector<1120x1120xf32>, vector<1120x32xf32>, vector<1120x32xf32> -> vector<1120x32xf32>
    %slice3A_209 = vector.extract_strided_slice %add3A_68 {offsets = [0, 64], sizes = [1120, 32], strides = [1, 1]} : vector<1120x256xf32> to vector<1120x32xf32>
    %slice3A_210 = vector.extract_strided_slice %add3A_82 {offsets = [0, 64], sizes = [1120, 32], strides = [1, 1]} : vector<1120x256xf32> to vector<1120x32xf32>
    %slice3A_211 = vector.extract_strided_slice %add3A_96 {offsets = [0, 64], sizes = [1120, 32], strides = [1, 1]} : vector<1120x256xf32> to vector<1120x32xf32>
    %dot_general3A_212 = arith.constant dense<0.000000e+00> : vector<1120x1120xf32>
    %dot_general3A_213 = tpu.matmul %slice3A_209, %slice3A_210, %dot_general3A_212 {dimension_numbers = #tpu.dot_dimension_numbers<[1], [1], [0], [0], [0, 0, 1, 0], [], []>, transpose_lhs_hint = false} : vector<1120x32xf32>, vector<1120x32xf32>, vector<1120x1120xf32> -> vector<1120x1120xf32>
    %mul3A_214 = arith.constant 0.176776692 : f32
    %mul3A_215 = vector.broadcast %mul3A_214 : f32 to vector<1120x1120xf32>
    %mul3A_216 = arith.mulf %dot_general3A_213, %mul3A_215 : vector<1120x1120xf32>
    %add3A_217 = arith.addf %mul3A_216, %select_n3A_167 : vector<1120x1120xf32>
    %reduce_max3A_218 = arith.constant dense<0xFF800000> : vector<1120xf32>
    %reduce_max3A_219 = vector.multi_reduction <maximumf>, %add3A_217, %reduce_max3A_218 [1] : vector<1120x1120xf32> to vector<1120xf32>
    %broadcast_in_dim3A_220 = vector.shape_cast %reduce_max3A_219 : vector<1120xf32> to vector<1120x1xf32>
    %sub3A_221 = vector.broadcast %broadcast_in_dim3A_220 : vector<1120x1xf32> to vector<1120x1120xf32>
    %sub3A_222 = arith.subf %add3A_217, %sub3A_221 : vector<1120x1120xf32>
    %exp3A_223 = math.exp %sub3A_222 : vector<1120x1120xf32>
    %reduce_sum3A_224 = arith.constant dense<0.000000e+00> : vector<1120xf32>
    %reduce_sum3A_225 = vector.multi_reduction <add>, %exp3A_223, %reduce_sum3A_224 [1] : vector<1120x1120xf32> to vector<1120xf32>
    %broadcast_in_dim3A_226 = vector.shape_cast %reduce_sum3A_225 : vector<1120xf32> to vector<1120x1xf32>
    %div3A_227 = vector.broadcast %broadcast_in_dim3A_226 : vector<1120x1xf32> to vector<1120x1120xf32>
    %div3A_228 = arith.divf %exp3A_223, %div3A_227 : vector<1120x1120xf32>
    %dot_general3A_229 = arith.constant dense<0.000000e+00> : vector<1120x32xf32>
    %dot_general3A_230 = tpu.matmul %div3A_228, %slice3A_211, %dot_general3A_229 {dimension_numbers = #tpu.dot_dimension_numbers<[1], [0], [0], [1], [0, 0, 1, 1], [], []>, transpose_lhs_hint = false} : vector<1120x1120xf32>, vector<1120x32xf32>, vector<1120x32xf32> -> vector<1120x32xf32>
    %slice3A_231 = vector.extract_strided_slice %add3A_68 {offsets = [0, 96], sizes = [1120, 32], strides = [1, 1]} : vector<1120x256xf32> to vector<1120x32xf32>
    %slice3A_232 = vector.extract_strided_slice %add3A_82 {offsets = [0, 96], sizes = [1120, 32], strides = [1, 1]} : vector<1120x256xf32> to vector<1120x32xf32>
    %slice3A_233 = vector.extract_strided_slice %add3A_96 {offsets = [0, 96], sizes = [1120, 32], strides = [1, 1]} : vector<1120x256xf32> to vector<1120x32xf32>
    %dot_general3A_234 = arith.constant dense<0.000000e+00> : vector<1120x1120xf32>
    %dot_general3A_235 = tpu.matmul %slice3A_231, %slice3A_232, %dot_general3A_234 {dimension_numbers = #tpu.dot_dimension_numbers<[1], [1], [0], [0], [0, 0, 1, 0], [], []>, transpose_lhs_hint = false} : vector<1120x32xf32>, vector<1120x32xf32>, vector<1120x1120xf32> -> vector<1120x1120xf32>
    %mul3A_236 = arith.constant 0.176776692 : f32
    %mul3A_237 = vector.broadcast %mul3A_236 : f32 to vector<1120x1120xf32>
    %mul3A_238 = arith.mulf %dot_general3A_235, %mul3A_237 : vector<1120x1120xf32>
    %add3A_239 = arith.addf %mul3A_238, %select_n3A_167 : vector<1120x1120xf32>
    %reduce_max3A_240 = arith.constant dense<0xFF800000> : vector<1120xf32>
    %reduce_max3A_241 = vector.multi_reduction <maximumf>, %add3A_239, %reduce_max3A_240 [1] : vector<1120x1120xf32> to vector<1120xf32>
    %broadcast_in_dim3A_242 = vector.shape_cast %reduce_max3A_241 : vector<1120xf32> to vector<1120x1xf32>
    %sub3A_243 = vector.broadcast %broadcast_in_dim3A_242 : vector<1120x1xf32> to vector<1120x1120xf32>
    %sub3A_244 = arith.subf %add3A_239, %sub3A_243 : vector<1120x1120xf32>
    %exp3A_245 = math.exp %sub3A_244 : vector<1120x1120xf32>
    %reduce_sum3A_246 = arith.constant dense<0.000000e+00> : vector<1120xf32>
    %reduce_sum3A_247 = vector.multi_reduction <add>, %exp3A_245, %reduce_sum3A_246 [1] : vector<1120x1120xf32> to vector<1120xf32>
    %broadcast_in_dim3A_248 = vector.shape_cast %reduce_sum3A_247 : vector<1120xf32> to vector<1120x1xf32>
    %div3A_249 = vector.broadcast %broadcast_in_dim3A_248 : vector<1120x1xf32> to vector<1120x1120xf32>
    %div3A_250 = arith.divf %exp3A_245, %div3A_249 : vector<1120x1120xf32>
    %dot_general3A_251 = arith.constant dense<0.000000e+00> : vector<1120x32xf32>
    %dot_general3A_252 = tpu.matmul %div3A_250, %slice3A_233, %dot_general3A_251 {dimension_numbers = #tpu.dot_dimension_numbers<[1], [0], [0], [1], [0, 0, 1, 1], [], []>, transpose_lhs_hint = false} : vector<1120x1120xf32>, vector<1120x32xf32>, vector<1120x32xf32> -> vector<1120x32xf32>
    %slice3A_253 = vector.extract_strided_slice %add3A_68 {offsets = [0, 128], sizes = [1120, 32], strides = [1, 1]} : vector<1120x256xf32> to vector<1120x32xf32>
    %slice3A_254 = vector.extract_strided_slice %add3A_82 {offsets = [0, 128], sizes = [1120, 32], strides = [1, 1]} : vector<1120x256xf32> to vector<1120x32xf32>
    %slice3A_255 = vector.extract_strided_slice %add3A_96 {offsets = [0, 128], sizes = [1120, 32], strides = [1, 1]} : vector<1120x256xf32> to vector<1120x32xf32>
    %dot_general3A_256 = arith.constant dense<0.000000e+00> : vector<1120x1120xf32>
    %dot_general3A_257 = tpu.matmul %slice3A_253, %slice3A_254, %dot_general3A_256 {dimension_numbers = #tpu.dot_dimension_numbers<[1], [1], [0], [0], [0, 0, 1, 0], [], []>, transpose_lhs_hint = false} : vector<1120x32xf32>, vector<1120x32xf32>, vector<1120x1120xf32> -> vector<1120x1120xf32>
    %mul3A_258 = arith.constant 0.176776692 : f32
    %mul3A_259 = vector.broadcast %mul3A_258 : f32 to vector<1120x1120xf32>
    %mul3A_260 = arith.mulf %dot_general3A_257, %mul3A_259 : vector<1120x1120xf32>
    %add3A_261 = arith.addf %mul3A_260, %select_n3A_167 : vector<1120x1120xf32>
    %reduce_max3A_262 = arith.constant dense<0xFF800000> : vector<1120xf32>
    %reduce_max3A_263 = vector.multi_reduction <maximumf>, %add3A_261, %reduce_max3A_262 [1] : vector<1120x1120xf32> to vector<1120xf32>
    %broadcast_in_dim3A_264 = vector.shape_cast %reduce_max3A_263 : vector<1120xf32> to vector<1120x1xf32>
    %sub3A_265 = vector.broadcast %broadcast_in_dim3A_264 : vector<1120x1xf32> to vector<1120x1120xf32>
    %sub3A_266 = arith.subf %add3A_261, %sub3A_265 : vector<1120x1120xf32>
    %exp3A_267 = math.exp %sub3A_266 : vector<1120x1120xf32>
    %reduce_sum3A_268 = arith.constant dense<0.000000e+00> : vector<1120xf32>
    %reduce_sum3A_269 = vector.multi_reduction <add>, %exp3A_267, %reduce_sum3A_268 [1] : vector<1120x1120xf32> to vector<1120xf32>
    %broadcast_in_dim3A_270 = vector.shape_cast %reduce_sum3A_269 : vector<1120xf32> to vector<1120x1xf32>
    %div3A_271 = vector.broadcast %broadcast_in_dim3A_270 : vector<1120x1xf32> to vector<1120x1120xf32>
    %div3A_272 = arith.divf %exp3A_267, %div3A_271 : vector<1120x1120xf32>
    %dot_general3A_273 = arith.constant dense<0.000000e+00> : vector<1120x32xf32>
    %dot_general3A_274 = tpu.matmul %div3A_272, %slice3A_255, %dot_general3A_273 {dimension_numbers = #tpu.dot_dimension_numbers<[1], [0], [0], [1], [0, 0, 1, 1], [], []>, transpose_lhs_hint = false} : vector<1120x1120xf32>, vector<1120x32xf32>, vector<1120x32xf32> -> vector<1120x32xf32>
    %slice3A_275 = vector.extract_strided_slice %add3A_68 {offsets = [0, 160], sizes = [1120, 32], strides = [1, 1]} : vector<1120x256xf32> to vector<1120x32xf32>
    %slice3A_276 = vector.extract_strided_slice %add3A_82 {offsets = [0, 160], sizes = [1120, 32], strides = [1, 1]} : vector<1120x256xf32> to vector<1120x32xf32>
    %slice3A_277 = vector.extract_strided_slice %add3A_96 {offsets = [0, 160], sizes = [1120, 32], strides = [1, 1]} : vector<1120x256xf32> to vector<1120x32xf32>
    %dot_general3A_278 = arith.constant dense<0.000000e+00> : vector<1120x1120xf32>
    %dot_general3A_279 = tpu.matmul %slice3A_275, %slice3A_276, %dot_general3A_278 {dimension_numbers = #tpu.dot_dimension_numbers<[1], [1], [0], [0], [0, 0, 1, 0], [], []>, transpose_lhs_hint = false} : vector<1120x32xf32>, vector<1120x32xf32>, vector<1120x1120xf32> -> vector<1120x1120xf32>
    %mul3A_280 = arith.constant 0.176776692 : f32
    %mul3A_281 = vector.broadcast %mul3A_280 : f32 to vector<1120x1120xf32>
    %mul3A_282 = arith.mulf %dot_general3A_279, %mul3A_281 : vector<1120x1120xf32>
    %add3A_283 = arith.addf %mul3A_282, %select_n3A_167 : vector<1120x1120xf32>
    %reduce_max3A_284 = arith.constant dense<0xFF800000> : vector<1120xf32>
    %reduce_max3A_285 = vector.multi_reduction <maximumf>, %add3A_283, %reduce_max3A_284 [1] : vector<1120x1120xf32> to vector<1120xf32>
    %broadcast_in_dim3A_286 = vector.shape_cast %reduce_max3A_285 : vector<1120xf32> to vector<1120x1xf32>
    %sub3A_287 = vector.broadcast %broadcast_in_dim3A_286 : vector<1120x1xf32> to vector<1120x1120xf32>
    %sub3A_288 = arith.subf %add3A_283, %sub3A_287 : vector<1120x1120xf32>
    %exp3A_289 = math.exp %sub3A_288 : vector<1120x1120xf32>
    %reduce_sum3A_290 = arith.constant dense<0.000000e+00> : vector<1120xf32>
    %reduce_sum3A_291 = vector.multi_reduction <add>, %exp3A_289, %reduce_sum3A_290 [1] : vector<1120x1120xf32> to vector<1120xf32>
    %broadcast_in_dim3A_292 = vector.shape_cast %reduce_sum3A_291 : vector<1120xf32> to vector<1120x1xf32>
    %div3A_293 = vector.broadcast %broadcast_in_dim3A_292 : vector<1120x1xf32> to vector<1120x1120xf32>
    %div3A_294 = arith.divf %exp3A_289, %div3A_293 : vector<1120x1120xf32>
    %dot_general3A_295 = arith.constant dense<0.000000e+00> : vector<1120x32xf32>
    %dot_general3A_296 = tpu.matmul %div3A_294, %slice3A_277, %dot_general3A_295 {dimension_numbers = #tpu.dot_dimension_numbers<[1], [0], [0], [1], [0, 0, 1, 1], [], []>, transpose_lhs_hint = false} : vector<1120x1120xf32>, vector<1120x32xf32>, vector<1120x32xf32> -> vector<1120x32xf32>
    %slice3A_297 = vector.extract_strided_slice %add3A_68 {offsets = [0, 192], sizes = [1120, 32], strides = [1, 1]} : vector<1120x256xf32> to vector<1120x32xf32>
    %slice3A_298 = vector.extract_strided_slice %add3A_82 {offsets = [0, 192], sizes = [1120, 32], strides = [1, 1]} : vector<1120x256xf32> to vector<1120x32xf32>
    %slice3A_299 = vector.extract_strided_slice %add3A_96 {offsets = [0, 192], sizes = [1120, 32], strides = [1, 1]} : vector<1120x256xf32> to vector<1120x32xf32>
    %dot_general3A_300 = arith.constant dense<0.000000e+00> : vector<1120x1120xf32>
    %dot_general3A_301 = tpu.matmul %slice3A_297, %slice3A_298, %dot_general3A_300 {dimension_numbers = #tpu.dot_dimension_numbers<[1], [1], [0], [0], [0, 0, 1, 0], [], []>, transpose_lhs_hint = false} : vector<1120x32xf32>, vector<1120x32xf32>, vector<1120x1120xf32> -> vector<1120x1120xf32>
    %mul3A_302 = arith.constant 0.176776692 : f32
    %mul3A_303 = vector.broadcast %mul3A_302 : f32 to vector<1120x1120xf32>
    %mul3A_304 = arith.mulf %dot_general3A_301, %mul3A_303 : vector<1120x1120xf32>
    %add3A_305 = arith.addf %mul3A_304, %select_n3A_167 : vector<1120x1120xf32>
    %reduce_max3A_306 = arith.constant dense<0xFF800000> : vector<1120xf32>
    %reduce_max3A_307 = vector.multi_reduction <maximumf>, %add3A_305, %reduce_max3A_306 [1] : vector<1120x1120xf32> to vector<1120xf32>
    %broadcast_in_dim3A_308 = vector.shape_cast %reduce_max3A_307 : vector<1120xf32> to vector<1120x1xf32>
    %sub3A_309 = vector.broadcast %broadcast_in_dim3A_308 : vector<1120x1xf32> to vector<1120x1120xf32>
    %sub3A_310 = arith.subf %add3A_305, %sub3A_309 : vector<1120x1120xf32>
    %exp3A_311 = math.exp %sub3A_310 : vector<1120x1120xf32>
    %reduce_sum3A_312 = arith.constant dense<0.000000e+00> : vector<1120xf32>
    %reduce_sum3A_313 = vector.multi_reduction <add>, %exp3A_311, %reduce_sum3A_312 [1] : vector<1120x1120xf32> to vector<1120xf32>
    %broadcast_in_dim3A_314 = vector.shape_cast %reduce_sum3A_313 : vector<1120xf32> to vector<1120x1xf32>
    %div3A_315 = vector.broadcast %broadcast_in_dim3A_314 : vector<1120x1xf32> to vector<1120x1120xf32>
    %div3A_316 = arith.divf %exp3A_311, %div3A_315 : vector<1120x1120xf32>
    %dot_general3A_317 = arith.constant dense<0.000000e+00> : vector<1120x32xf32>
    %dot_general3A_318 = tpu.matmul %div3A_316, %slice3A_299, %dot_general3A_317 {dimension_numbers = #tpu.dot_dimension_numbers<[1], [0], [0], [1], [0, 0, 1, 1], [], []>, transpose_lhs_hint = false} : vector<1120x1120xf32>, vector<1120x32xf32>, vector<1120x32xf32> -> vector<1120x32xf32>
    %slice3A_319 = vector.extract_strided_slice %add3A_68 {offsets = [0, 224], sizes = [1120, 32], strides = [1, 1]} : vector<1120x256xf32> to vector<1120x32xf32>
    %slice3A_320 = vector.extract_strided_slice %add3A_82 {offsets = [0, 224], sizes = [1120, 32], strides = [1, 1]} : vector<1120x256xf32> to vector<1120x32xf32>
    %slice3A_321 = vector.extract_strided_slice %add3A_96 {offsets = [0, 224], sizes = [1120, 32], strides = [1, 1]} : vector<1120x256xf32> to vector<1120x32xf32>
    %dot_general3A_322 = arith.constant dense<0.000000e+00> : vector<1120x1120xf32>
    %dot_general3A_323 = tpu.matmul %slice3A_319, %slice3A_320, %dot_general3A_322 {dimension_numbers = #tpu.dot_dimension_numbers<[1], [1], [0], [0], [0, 0, 1, 0], [], []>, transpose_lhs_hint = false} : vector<1120x32xf32>, vector<1120x32xf32>, vector<1120x1120xf32> -> vector<1120x1120xf32>
    %mul3A_324 = arith.constant 0.176776692 : f32
    %mul3A_325 = vector.broadcast %mul3A_324 : f32 to vector<1120x1120xf32>
    %mul3A_326 = arith.mulf %dot_general3A_323, %mul3A_325 : vector<1120x1120xf32>
    %add3A_327 = arith.addf %mul3A_326, %select_n3A_167 : vector<1120x1120xf32>
    %reduce_max3A_328 = arith.constant dense<0xFF800000> : vector<1120xf32>
    %reduce_max3A_329 = vector.multi_reduction <maximumf>, %add3A_327, %reduce_max3A_328 [1] : vector<1120x1120xf32> to vector<1120xf32>
    %broadcast_in_dim3A_330 = vector.shape_cast %reduce_max3A_329 : vector<1120xf32> to vector<1120x1xf32>
    %sub3A_331 = vector.broadcast %broadcast_in_dim3A_330 : vector<1120x1xf32> to vector<1120x1120xf32>
    %sub3A_332 = arith.subf %add3A_327, %sub3A_331 : vector<1120x1120xf32>
    %exp3A_333 = math.exp %sub3A_332 : vector<1120x1120xf32>
    %reduce_sum3A_334 = arith.constant dense<0.000000e+00> : vector<1120xf32>
    %reduce_sum3A_335 = vector.multi_reduction <add>, %exp3A_333, %reduce_sum3A_334 [1] : vector<1120x1120xf32> to vector<1120xf32>
    %broadcast_in_dim3A_336 = vector.shape_cast %reduce_sum3A_335 : vector<1120xf32> to vector<1120x1xf32>
    %div3A_337 = vector.broadcast %broadcast_in_dim3A_336 : vector<1120x1xf32> to vector<1120x1120xf32>
    %div3A_338 = arith.divf %exp3A_333, %div3A_337 : vector<1120x1120xf32>
    %dot_general3A_339 = arith.constant dense<0.000000e+00> : vector<1120x32xf32>
    %dot_general3A_340 = tpu.matmul %div3A_338, %slice3A_321, %dot_general3A_339 {dimension_numbers = #tpu.dot_dimension_numbers<[1], [0], [0], [1], [0, 0, 1, 1], [], []>, transpose_lhs_hint = false} : vector<1120x1120xf32>, vector<1120x32xf32>, vector<1120x32xf32> -> vector<1120x32xf32>
    %concatenate3A = tpu.concatenate %dot_general3A_186, %dot_general3A_208, %dot_general3A_230, %dot_general3A_252, %dot_general3A_274, %dot_general3A_296, %dot_general3A_318, %dot_general3A_340 in 1 : vector<1120x32xf32>, vector<1120x32xf32>, vector<1120x32xf32>, vector<1120x32xf32>, vector<1120x32xf32>, vector<1120x32xf32>, vector<1120x32xf32>, vector<1120x32xf32> -> vector<1120x256xf32>
    %get3A_341 = arith.constant 0 : index
    %get3A_342 = arith.constant 0 : index
    %get3A_343 = arith.constant 0 : index
    %get3A_344 = vector.load %arg12[%get3A_341, %get3A_342, %get3A_343] : memref<1x256x256xf32, #tpu.memory_space<vmem>>, vector<1x256x256xf32>
    %get3A_345 = vector.shape_cast %get3A_344 : vector<1x256x256xf32> to vector<256x256xf32>
    %dot_general3A_346 = arith.constant dense<0.000000e+00> : vector<1120x256xf32>
    %dot_general3A_347 = tpu.matmul %concatenate3A, %get3A_345, %dot_general3A_346 {dimension_numbers = #tpu.dot_dimension_numbers<[1], [0], [0], [1], [0, 0, 1, 1], [], []>, transpose_lhs_hint = false} : vector<1120x256xf32>, vector<256x256xf32>, vector<1120x256xf32> -> vector<1120x256xf32>
    %get3A_348 = arith.constant 0 : index
    %get3A_349 = arith.constant 0 : index
    %get3A_350 = arith.constant 0 : index
    %get3A_351 = vector.load %arg13[%get3A_348, %get3A_349, %get3A_350] : memref<1x1x256xf32, #tpu.memory_space<vmem>>, vector<1x1x256xf32>
    %get3A_352 = vector.shape_cast %get3A_351 : vector<1x1x256xf32> to vector<1x256xf32>
    %add3A_353 = vector.broadcast %get3A_352 : vector<1x256xf32> to vector<1120x256xf32>
    %add3A_354 = arith.addf %dot_general3A_347, %add3A_353 : vector<1120x256xf32>
    %add3A_355 = arith.addf %add3A_354, %add3A_54 : vector<1120x256xf32>
    %get3A_356 = arith.constant 0 : index
    %get3A_357 = arith.constant 0 : index
    %get3A_358 = arith.constant 0 : index
    %get3A_359 = vector.load %arg14[%get3A_356, %get3A_357, %get3A_358] : memref<1x1x256xf32, #tpu.memory_space<vmem>>, vector<1x1x256xf32>
    %get3A_360 = vector.shape_cast %get3A_359 : vector<1x1x256xf32> to vector<1x256xf32>
    %get3A_361 = arith.constant 0 : index
    %get3A_362 = arith.constant 0 : index
    %get3A_363 = arith.constant 0 : index
    %get3A_364 = vector.load %arg15[%get3A_361, %get3A_362, %get3A_363] : memref<1x1x256xf32, #tpu.memory_space<vmem>>, vector<1x1x256xf32>
    %get3A_365 = vector.shape_cast %get3A_364 : vector<1x1x256xf32> to vector<1x256xf32>
    %reduce_sum3A_366 = arith.constant dense<0.000000e+00> : vector<1120xf32>
    %reduce_sum3A_367 = vector.multi_reduction <add>, %add3A_355, %reduce_sum3A_366 [1] : vector<1120x256xf32> to vector<1120xf32>
    %broadcast_in_dim3A_368 = vector.shape_cast %reduce_sum3A_367 : vector<1120xf32> to vector<1120x1xf32>
    %div3A_369 = arith.constant 2.560000e+02 : f32
    %div3A_370 = vector.broadcast %div3A_369 : f32 to vector<1120x1xf32>
    %div3A_371 = arith.divf %broadcast_in_dim3A_368, %div3A_370 : vector<1120x1xf32>
    %sub3A_372 = vector.broadcast %div3A_371 : vector<1120x1xf32> to vector<1120x256xf32>
    %sub3A_373 = arith.subf %add3A_355, %sub3A_372 : vector<1120x256xf32>
    %mul3A_374 = arith.mulf %sub3A_373, %sub3A_373 : vector<1120x256xf32>
    %reduce_sum3A_375 = arith.constant dense<0.000000e+00> : vector<1120xf32>
    %reduce_sum3A_376 = vector.multi_reduction <add>, %mul3A_374, %reduce_sum3A_375 [1] : vector<1120x256xf32> to vector<1120xf32>
    %broadcast_in_dim3A_377 = vector.shape_cast %reduce_sum3A_376 : vector<1120xf32> to vector<1120x1xf32>
    %div3A_378 = arith.constant 2.560000e+02 : f32
    %div3A_379 = vector.broadcast %div3A_378 : f32 to vector<1120x1xf32>
    %div3A_380 = arith.divf %broadcast_in_dim3A_377, %div3A_379 : vector<1120x1xf32>
    %add3A_381 = arith.constant 9.99999996E-13 : f32
    %add3A_382 = vector.broadcast %add3A_381 : f32 to vector<1120x1xf32>
    %add3A_383 = arith.addf %div3A_380, %add3A_382 : vector<1120x1xf32>
    %rsqrt3A_384 = math.rsqrt %add3A_383 : vector<1120x1xf32>
    %mul3A_385 = vector.broadcast %rsqrt3A_384 : vector<1120x1xf32> to vector<1120x256xf32>
    %mul3A_386 = arith.mulf %sub3A_373, %mul3A_385 : vector<1120x256xf32>
    %mul3A_387 = vector.broadcast %get3A_360 : vector<1x256xf32> to vector<1120x256xf32>
    %mul3A_388 = arith.mulf %mul3A_386, %mul3A_387 : vector<1120x256xf32>
    %add3A_389 = vector.broadcast %get3A_365 : vector<1x256xf32> to vector<1120x256xf32>
    %add3A_390 = arith.addf %mul3A_388, %add3A_389 : vector<1120x256xf32>
    %get3A_391 = arith.constant 0 : index
    %get3A_392 = arith.constant 0 : index
    %get3A_393 = arith.constant 0 : index
    %get3A_394 = vector.load %arg16[%get3A_391, %get3A_392, %get3A_393] : memref<1x256x1024xf32, #tpu.memory_space<vmem>>, vector<1x256x1024xf32>
    %get3A_395 = vector.shape_cast %get3A_394 : vector<1x256x1024xf32> to vector<256x1024xf32>
    %dot_general3A_396 = arith.constant dense<0.000000e+00> : vector<1120x1024xf32>
    %dot_general3A_397 = tpu.matmul %add3A_390, %get3A_395, %dot_general3A_396 {dimension_numbers = #tpu.dot_dimension_numbers<[1], [0], [0], [1], [0, 0, 1, 1], [], []>, transpose_lhs_hint = false} : vector<1120x256xf32>, vector<256x1024xf32>, vector<1120x1024xf32> -> vector<1120x1024xf32>
    %get3A_398 = arith.constant 0 : index
    %get3A_399 = arith.constant 0 : index
    %get3A_400 = arith.constant 0 : index
    %get3A_401 = vector.load %arg17[%get3A_398, %get3A_399, %get3A_400] : memref<1x1x1024xf32, #tpu.memory_space<vmem>>, vector<1x1x1024xf32>
    %get3A_402 = vector.shape_cast %get3A_401 : vector<1x1x1024xf32> to vector<1x1024xf32>
    %add3A_403 = vector.broadcast %get3A_402 : vector<1x1024xf32> to vector<1120x1024xf32>
    %add3A_404 = arith.addf %dot_general3A_397, %add3A_403 : vector<1120x1024xf32>
    %mul3A_405 = arith.constant 5.000000e-01 : f32
    %mul3A_406 = vector.broadcast %mul3A_405 : f32 to vector<1120x1024xf32>
    %mul3A_407 = arith.mulf %mul3A_406, %add3A_404 : vector<1120x1024xf32>
    %mul3A_408 = arith.constant 0.707106769 : f32
    %mul3A_409 = vector.broadcast %mul3A_408 : f32 to vector<1120x1024xf32>
    %mul3A_410 = arith.mulf %add3A_404, %mul3A_409 : vector<1120x1024xf32>
    %erf3A = math.erf %mul3A_410 : vector<1120x1024xf32>
    %add3A_411 = arith.constant 1.000000e+00 : f32
    %add3A_412 = vector.broadcast %add3A_411 : f32 to vector<1120x1024xf32>
    %add3A_413 = arith.addf %add3A_412, %erf3A : vector<1120x1024xf32>
    %mul3A_414 = arith.mulf %mul3A_407, %add3A_413 : vector<1120x1024xf32>
    %get3A_415 = arith.constant 0 : index
    %get3A_416 = arith.constant 0 : index
    %get3A_417 = arith.constant 0 : index
    %get3A_418 = vector.load %arg18[%get3A_415, %get3A_416, %get3A_417] : memref<1x1024x256xf32, #tpu.memory_space<vmem>>, vector<1x1024x256xf32>
    %get3A_419 = vector.shape_cast %get3A_418 : vector<1x1024x256xf32> to vector<1024x256xf32>
    %dot_general3A_420 = arith.constant dense<0.000000e+00> : vector<1120x256xf32>
    %dot_general3A_421 = tpu.matmul %mul3A_414, %get3A_419, %dot_general3A_420 {dimension_numbers = #tpu.dot_dimension_numbers<[1], [0], [0], [1], [0, 0, 1, 1], [], []>, transpose_lhs_hint = false} : vector<1120x1024xf32>, vector<1024x256xf32>, vector<1120x256xf32> -> vector<1120x256xf32>
    %get3A_422 = arith.constant 0 : index
    %get3A_423 = arith.constant 0 : index
    %get3A_424 = arith.constant 0 : index
    %get3A_425 = vector.load %arg19[%get3A_422, %get3A_423, %get3A_424] : memref<1x1x256xf32, #tpu.memory_space<vmem>>, vector<1x1x256xf32>
    %get3A_426 = vector.shape_cast %get3A_425 : vector<1x1x256xf32> to vector<1x256xf32>
    %add3A_427 = vector.broadcast %get3A_426 : vector<1x256xf32> to vector<1120x256xf32>
    %add3A_428 = arith.addf %dot_general3A_421, %add3A_427 : vector<1120x256xf32>
    %add3A_429 = arith.addf %add3A_428, %add3A_390 : vector<1120x256xf32>
    %get3A_430 = arith.constant 0 : index
    %get3A_431 = arith.constant 0 : index
    %get3A_432 = arith.constant 0 : index
    %get3A_433 = vector.load %arg20[%get3A_430, %get3A_431, %get3A_432] : memref<1x1x256xf32, #tpu.memory_space<vmem>>, vector<1x1x256xf32>
    %get3A_434 = vector.shape_cast %get3A_433 : vector<1x1x256xf32> to vector<1x256xf32>
    %get3A_435 = arith.constant 0 : index
    %get3A_436 = arith.constant 0 : index
    %get3A_437 = arith.constant 0 : index
    %get3A_438 = vector.load %arg21[%get3A_435, %get3A_436, %get3A_437] : memref<1x1x256xf32, #tpu.memory_space<vmem>>, vector<1x1x256xf32>
    %get3A_439 = vector.shape_cast %get3A_438 : vector<1x1x256xf32> to vector<1x256xf32>
    %reduce_sum3A_440 = arith.constant dense<0.000000e+00> : vector<1120xf32>
    %reduce_sum3A_441 = vector.multi_reduction <add>, %add3A_429, %reduce_sum3A_440 [1] : vector<1120x256xf32> to vector<1120xf32>
    %broadcast_in_dim3A_442 = vector.shape_cast %reduce_sum3A_441 : vector<1120xf32> to vector<1120x1xf32>
    %div3A_443 = arith.constant 2.560000e+02 : f32
    %div3A_444 = vector.broadcast %div3A_443 : f32 to vector<1120x1xf32>
    %div3A_445 = arith.divf %broadcast_in_dim3A_442, %div3A_444 : vector<1120x1xf32>
    %sub3A_446 = vector.broadcast %div3A_445 : vector<1120x1xf32> to vector<1120x256xf32>
    %sub3A_447 = arith.subf %add3A_429, %sub3A_446 : vector<1120x256xf32>
    %mul3A_448 = arith.mulf %sub3A_447, %sub3A_447 : vector<1120x256xf32>
    %reduce_sum3A_449 = arith.constant dense<0.000000e+00> : vector<1120xf32>
    %reduce_sum3A_450 = vector.multi_reduction <add>, %mul3A_448, %reduce_sum3A_449 [1] : vector<1120x256xf32> to vector<1120xf32>
    %broadcast_in_dim3A_451 = vector.shape_cast %reduce_sum3A_450 : vector<1120xf32> to vector<1120x1xf32>
    %div3A_452 = arith.constant 2.560000e+02 : f32
    %div3A_453 = vector.broadcast %div3A_452 : f32 to vector<1120x1xf32>
    %div3A_454 = arith.divf %broadcast_in_dim3A_451, %div3A_453 : vector<1120x1xf32>
    %add3A_455 = arith.constant 9.99999996E-13 : f32
    %add3A_456 = vector.broadcast %add3A_455 : f32 to vector<1120x1xf32>
    %add3A_457 = arith.addf %div3A_454, %add3A_456 : vector<1120x1xf32>
    %rsqrt3A_458 = math.rsqrt %add3A_457 : vector<1120x1xf32>
    %mul3A_459 = vector.broadcast %rsqrt3A_458 : vector<1120x1xf32> to vector<1120x256xf32>
    %mul3A_460 = arith.mulf %sub3A_447, %mul3A_459 : vector<1120x256xf32>
    %mul3A_461 = vector.broadcast %get3A_434 : vector<1x256xf32> to vector<1120x256xf32>
    %mul3A_462 = arith.mulf %mul3A_460, %mul3A_461 : vector<1120x256xf32>
    %add3A_463 = vector.broadcast %get3A_439 : vector<1x256xf32> to vector<1120x256xf32>
    %add3A_464 = arith.addf %mul3A_462, %add3A_463 : vector<1120x256xf32>
    %iota3A_465 = tpu.iota {dimensions = array<i32: 1>} : vector<32x5xi32>
    %get3A_466 = arith.constant 0 : index
    %get3A_467 = arith.constant 0 : index
    %get3A_468 = vector.load %arg2[%get3A_466, %get3A_467] : memref<32x5xf32, #tpu.memory_space<vmem>>, vector<32x5xf32>
    %eq3A_469 = vector.broadcast %arg0 : i32 to vector<32x5xi32>
    %eq3A_470 = arith.cmpi eq, %iota3A_465, %eq3A_469 : vector<32x5xi32>
    %convert_element_type3A_471 = arith.extui %eq3A_470 : vector<32x5xi1> to vector<32x5xi32>
    %convert_element_type3A_472 = arith.sitofp %convert_element_type3A_471 : vector<32x5xi32> to vector<32x5xf32>
    %mul3A_473 = arith.mulf %get3A_468, %convert_element_type3A_472 : vector<32x5xf32>
    %reduce_sum3A_474 = arith.constant dense<0.000000e+00> : vector<32xf32>
    %reduce_sum3A_475 = vector.multi_reduction <add>, %mul3A_473, %reduce_sum3A_474 [1] : vector<32x5xf32> to vector<32xf32>
    %broadcast_in_dim3A_476 = vector.shape_cast %reduce_sum3A_475 : vector<32xf32> to vector<32x1xf32>
    %iota3A_477 = tpu.iota {dimensions = array<i32: 0>} : vector<1120x32xi32>
    %jit3A_478 = arith.constant 35 : i32
    %div3A_479 = vector.broadcast %jit3A_478 : i32 to vector<1120x32xi32>
    %div3A_480 = arith.divsi %iota3A_477, %div3A_479 : vector<1120x32xi32>
    %sign3A_481 = arith.constant 0 : i32
    %sign3A_482 = vector.broadcast %sign3A_481 : i32 to vector<1120x32xi32>
    %sign3A_483 = arith.cmpi sgt, %iota3A_477, %sign3A_482 : vector<1120x32xi32>
    %sign3A_484 = arith.extui %sign3A_483 : vector<1120x32xi1> to vector<1120x32xi32>
    %sign3A_485 = arith.constant 0 : i32
    %sign3A_486 = vector.broadcast %sign3A_485 : i32 to vector<1120x32xi32>
    %sign3A_487 = arith.cmpi slt, %iota3A_477, %sign3A_486 : vector<1120x32xi32>
    %sign3A_488 = arith.extui %sign3A_487 : vector<1120x32xi1> to vector<1120x32xi32>
    %sign3A_489 = arith.subi %sign3A_484, %sign3A_488 : vector<1120x32xi32>
    %sign3A_490 = arith.constant 0 : i32
    %sign3A_491 = arith.cmpi sgt, %jit3A_478, %sign3A_490 : i32
    %sign3A_492 = arith.extui %sign3A_491 : i1 to i32
    %sign3A_493 = arith.constant 0 : i32
    %sign3A_494 = arith.cmpi slt, %jit3A_478, %sign3A_493 : i32
    %sign3A_495 = arith.extui %sign3A_494 : i1 to i32
    %sign3A_496 = arith.subi %sign3A_492, %sign3A_495 : i32
    %ne3A_497 = vector.broadcast %sign3A_496 : i32 to vector<1120x32xi32>
    %ne3A_498 = arith.cmpi ne, %sign3A_489, %ne3A_497 : vector<1120x32xi32>
    %rem3A_499 = vector.broadcast %jit3A_478 : i32 to vector<1120x32xi32>
    %rem3A_500 = arith.remsi %iota3A_477, %rem3A_499 : vector<1120x32xi32>
    %ne3A_501 = arith.constant 0 : i32
    %ne3A_502 = vector.broadcast %ne3A_501 : i32 to vector<1120x32xi32>
    %ne3A_503 = arith.cmpi ne, %rem3A_500, %ne3A_502 : vector<1120x32xi32>
    %and3A_504 = arith.andi %ne3A_498, %ne3A_503 : vector<1120x32xi1>
    %sub3A_505 = arith.constant 1 : i32
    %sub3A_506 = vector.broadcast %sub3A_505 : i32 to vector<1120x32xi32>
    %sub3A_507 = arith.subi %div3A_480, %sub3A_506 : vector<1120x32xi32>
    %select_n3A_508 = arith.select %and3A_504, %sub3A_507, %div3A_480 : vector<1120x32xi1>, vector<1120x32xi32>
    %iota3A_509 = tpu.iota {dimensions = array<i32: 1>} : vector<1120x32xi32>
    %eq3A_510 = arith.cmpi eq, %select_n3A_508, %iota3A_509 : vector<1120x32xi32>
    %convert_element_type3A_511 = arith.extui %eq3A_510 : vector<1120x32xi1> to vector<1120x32xi32>
    %convert_element_type3A_512 = arith.sitofp %convert_element_type3A_511 : vector<1120x32xi32> to vector<1120x32xf32>
    %dot_general3A_513 = arith.constant dense<0.000000e+00> : vector<1120x1xf32>
    %dot_general3A_514 = tpu.matmul %convert_element_type3A_512, %broadcast_in_dim3A_476, %dot_general3A_513 {dimension_numbers = #tpu.dot_dimension_numbers<[1], [0], [0], [1], [0, 0, 1, 1], [], []>, transpose_lhs_hint = false} : vector<1120x32xf32>, vector<32x1xf32>, vector<1120x1xf32> -> vector<1120x1xf32>
    %mul3A_515 = vector.broadcast %dot_general3A_514 : vector<1120x1xf32> to vector<1120x256xf32>
    %mul3A_516 = arith.mulf %mul3A_515, %add3A_464 : vector<1120x256xf32>
    %eq3A_517 = arith.constant 0 : i32
    %eq3A_518 = arith.cmpi eq, %arg0, %eq3A_517 : i32
    %convert_element_type3A_519 = arith.extui %eq3A_518 : i1 to i32
    %cond3A = arith.constant 0 : i32
    %cond3A_520 = arith.cmpi ne, %convert_element_type3A_519, %cond3A : i32
    scf.if %cond3A_520 {
      %swap3A = arith.constant 0 : index
      %swap3A_525 = arith.constant 0 : index
      %swap3A_526 = vector.load %arg22[%swap3A, %swap3A_525] : memref<1120x256xf32, #tpu.memory_space<vmem>>, vector<1120x256xf32>
      tpu.vector_store %arg22[%swap3A, %swap3A_525], %mul3A_516 {strides = array<i32>} : memref<1120x256xf32, #tpu.memory_space<vmem>>, vector<1120x256xf32>,
    } else {
    }
    %gt3A = arith.constant 0 : i32
    %gt3A_521 = arith.cmpi sgt, %arg0, %gt3A : i32
    %convert_element_type3A_522 = arith.extui %gt3A_521 : i1 to i32
    %cond3A_523 = arith.constant 0 : i32
    %cond3A_524 = arith.cmpi ne, %convert_element_type3A_522, %cond3A_523 : i32
    scf.if %cond3A_524 {
      %get3A_525 = arith.constant 0 : index
      %get3A_526 = arith.constant 0 : index
      %get3A_527 = vector.load %arg22[%get3A_525, %get3A_526] : memref<1120x256xf32, #tpu.memory_space<vmem>>, vector<1120x256xf32>
      %add3A_528 = arith.addf %get3A_527, %mul3A_516 : vector<1120x256xf32>
      %swap3A = arith.constant 0 : index
      %swap3A_529 = arith.constant 0 : index
      %swap3A_530 = vector.load %arg22[%swap3A, %swap3A_529] : memref<1120x256xf32, #tpu.memory_space<vmem>>, vector<1120x256xf32>
      tpu.vector_store %arg22[%swap3A, %swap3A_529], %add3A_528 {strides = array<i32>} : memref<1120x256xf32, #tpu.memory_space<vmem>>, vector<1120x256xf32>,
    } else {
    }
    return
  }
  func.func @transform_0(%arg0: i32) -> (i32, i32) {
    %c0_i32 = arith.constant 0 : i32
    %c0_i32_0 = arith.constant 0 : i32
    %c0_i32_1 = arith.constant 0 : i32
    return %c0_i32, %c0_i32_0 : i32, i32
  }
  func.func @transform_1(%arg0: i32) -> (i32, i32) {
    %c0_i32 = arith.constant 0 : i32
    %c0_i32_0 = arith.constant 0 : i32
    %c0_i32_1 = arith.constant 0 : i32
    return %c0_i32, %c0_i32_0 : i32, i32
  }
  func.func @transform_2(%arg0: i32) -> (i32, i32, i32) {
    %c0_i32 = arith.constant 0 : i32
    %c0_i32_0 = arith.constant 0 : i32
    %c0_i32_1 = arith.constant 0 : i32
    return %arg0, %c0_i32, %c0_i32_0 : i32, i32, i32
  }
  func.func @transform_3(%arg0: i32) -> (i32, i32, i32) {
    %c0_i32 = arith.constant 0 : i32
    %c0_i32_0 = arith.constant 0 : i32
    %c0_i32_1 = arith.constant 0 : i32
    return %arg0, %c0_i32, %c0_i32_0 : i32, i32, i32
  }
  func.func @transform_4(%arg0: i32) -> (i32, i32, i32) {
    %c0_i32 = arith.constant 0 : i32
    %c0_i32_0 = arith.constant 0 : i32
    %c0_i32_1 = arith.constant 0 : i32
    return %arg0, %c0_i32, %c0_i32_0 : i32, i32, i32
  }
  func.func @transform_5(%arg0: i32) -> (i32, i32, i32) {
    %c0_i32 = arith.constant 0 : i32
    %c0_i32_0 = arith.constant 0 : i32
    %c0_i32_1 = arith.constant 0 : i32
    return %arg0, %c0_i32, %c0_i32_0 : i32, i32, i32
  }
  func.func @transform_6(%arg0: i32) -> (i32, i32, i32) {
    %c0_i32 = arith.constant 0 : i32
    %c0_i32_0 = arith.constant 0 : i32
    %c0_i32_1 = arith.constant 0 : i32
    return %arg0, %c0_i32, %c0_i32_0 : i32, i32, i32
  }
  func.func @transform_7(%arg0: i32) -> (i32, i32, i32) {
    %c0_i32 = arith.constant 0 : i32
    %c0_i32_0 = arith.constant 0 : i32
    %c0_i32_1 = arith.constant 0 : i32
    return %arg0, %c0_i32, %c0_i32_0 : i32, i32, i32
  }
  func.func @transform_8(%arg0: i32) -> (i32, i32, i32) {
    %c0_i32 = arith.constant 0 : i32
    %c0_i32_0 = arith.constant 0 : i32
    %c0_i32_1 = arith.constant 0 : i32
    return %arg0, %c0_i32, %c0_i32_0 : i32, i32, i32
  }
  func.func @transform_9(%arg0: i32) -> (i32, i32, i32) {
    %c0_i32 = arith.constant 0 : i32
    %c0_i32_0 = arith.constant 0 : i32
    %c0_i32_1 = arith.constant 0 : i32
    return %arg0, %c0_i32, %c0_i32_0 : i32, i32, i32
  }
  func.func @transform_10(%arg0: i32) -> (i32, i32, i32) {
    %c0_i32 = arith.constant 0 : i32
    %c0_i32_0 = arith.constant 0 : i32
    %c0_i32_1 = arith.constant 0 : i32
    return %arg0, %c0_i32, %c0_i32_0 : i32, i32, i32
  }
  func.func @transform_11(%arg0: i32) -> (i32, i32, i32) {
    %c0_i32 = arith.constant 0 : i32
    %c0_i32_0 = arith.constant 0 : i32
    %c0_i32_1 = arith.constant 0 : i32
    return %arg0, %c0_i32, %c0_i32_0 : i32, i32, i32
  }
  func.func @transform_12(%arg0: i32) -> (i32, i32, i32) {
    %c0_i32 = arith.constant 0 : i32
    %c0_i32_0 = arith.constant 0 : i32
    %c0_i32_1 = arith.constant 0 : i32
    return %arg0, %c0_i32, %c0_i32_0 : i32, i32, i32
  }
  func.func @transform_13(%arg0: i32) -> (i32, i32, i32) {
    %c0_i32 = arith.constant 0 : i32
    %c0_i32_0 = arith.constant 0 : i32
    %c0_i32_1 = arith.constant 0 : i32
    return %arg0, %c0_i32, %c0_i32_0 : i32, i32, i32
  }
  func.func @transform_14(%arg0: i32) -> (i32, i32, i32) {
    %c0_i32 = arith.constant 0 : i32
    %c0_i32_0 = arith.constant 0 : i32
    %c0_i32_1 = arith.constant 0 : i32
    return %arg0, %c0_i32, %c0_i32_0 : i32, i32, i32
  }
  func.func @transform_15(%arg0: i32) -> (i32, i32, i32) {
    %c0_i32 = arith.constant 0 : i32
    %c0_i32_0 = arith.constant 0 : i32
    %c0_i32_1 = arith.constant 0 : i32
    return %arg0, %c0_i32, %c0_i32_0 : i32, i32, i32
  }
  func.func @transform_16(%arg0: i32) -> (i32, i32, i32) {
    %c0_i32 = arith.constant 0 : i32
    %c0_i32_0 = arith.constant 0 : i32
    %c0_i32_1 = arith.constant 0 : i32
    return %arg0, %c0_i32, %c0_i32_0 : i32, i32, i32
  }
  func.func @transform_17(%arg0: i32) -> (i32, i32, i32) {
    %c0_i32 = arith.constant 0 : i32
    %c0_i32_0 = arith.constant 0 : i32
    %c0_i32_1 = arith.constant 0 : i32
    return %arg0, %c0_i32, %c0_i32_0 : i32, i32, i32
  }
  func.func @transform_18(%arg0: i32) -> (i32, i32, i32) {
    %c0_i32 = arith.constant 0 : i32
    %c0_i32_0 = arith.constant 0 : i32
    %c0_i32_1 = arith.constant 0 : i32
    return %arg0, %c0_i32, %c0_i32_0 : i32, i32, i32
  }
  func.func @transform_19(%arg0: i32) -> (i32, i32, i32) {
    %c0_i32 = arith.constant 0 : i32
    %c0_i32_0 = arith.constant 0 : i32
    %c0_i32_1 = arith.constant 0 : i32
    return %arg0, %c0_i32, %c0_i32_0 : i32, i32, i32
  }
  func.func @transform_20(%arg0: i32) -> (i32, i32, i32) {
    %c0_i32 = arith.constant 0 : i32
    %c0_i32_0 = arith.constant 0 : i32
    %c0_i32_1 = arith.constant 0 : i32
    return %arg0, %c0_i32, %c0_i32_0 : i32, i32, i32
  }
  func.func @transform_21(%arg0: i32) -> (i32, i32) {
    %c0_i32 = arith.constant 0 : i32
    %c0_i32_0 = arith.constant 0 : i32
    %c0_i32_1 = arith.constant 0 : i32
    return %c0_i32, %c0_i32_0 : i32, i32
  }
}

module attributes {stable_mosaic.version = 14 : i64} {
  func.func @_head_krn(%arg0: i32, %arg1: memref<1120x256xf32, #tpu.memory_space<vmem>>, %arg2: memref<256x1280xf32, #tpu.memory_space<vmem>>, %arg3: memref<1x1280xf32, #tpu.memory_space<vmem>>, %arg4: memref<1120x1280xf32, #tpu.memory_space<vmem>>) attributes {dimension_semantics = [#tpu.dimension_semantics<arbitrary>], iteration_bounds = array<i64: 25>, scalar_prefetch = 0 : i64, scratch_operands = 0 : i64, tpu.core_type = #tpu.core_type<tc>, window_params = [{pipeline_mode = #tpu.pipeline_mode<synchronous>, transform_indices = @transform_0, window_bounds = array<i64: 1120, 256>}, {transform_indices = @transform_1, window_bounds = array<i64: 256, 1280>}, {transform_indices = @transform_2, window_bounds = array<i64: 1, 1280>}, {transform_indices = @transform_3, window_bounds = array<i64: 1120, 1280>}]} {
    %get3A = arith.constant 0 : index
    %get3A_0 = arith.constant 0 : index
    %get3A_1 = vector.load %arg1[%get3A, %get3A_0] : memref<1120x256xf32, #tpu.memory_space<vmem>>, vector<1120x256xf32>
    %get3A_2 = arith.constant 0 : index
    %get3A_3 = arith.constant 0 : index
    %get3A_4 = vector.load %arg2[%get3A_2, %get3A_3] : memref<256x1280xf32, #tpu.memory_space<vmem>>, vector<256x1280xf32>
    %dot_general3A = arith.constant dense<0.000000e+00> : vector<1120x1280xf32>
    %dot_general3A_5 = tpu.matmul %get3A_1, %get3A_4, %dot_general3A {dimension_numbers = #tpu.dot_dimension_numbers<[1], [0], [0], [1], [0, 0, 1, 1], [], []>, transpose_lhs_hint = false} : vector<1120x256xf32>, vector<256x1280xf32>, vector<1120x1280xf32> -> vector<1120x1280xf32>
    %get3A_6 = arith.constant 0 : index
    %get3A_7 = arith.constant 0 : index
    %get3A_8 = vector.load %arg3[%get3A_6, %get3A_7] : memref<1x1280xf32, #tpu.memory_space<vmem>>, vector<1x1280xf32>
    %add3A = vector.broadcast %get3A_8 : vector<1x1280xf32> to vector<1120x1280xf32>
    %add3A_9 = arith.addf %dot_general3A_5, %add3A : vector<1120x1280xf32>
    %swap3A = arith.constant 0 : index
    %swap3A_10 = arith.constant 0 : index
    %swap3A_11 = vector.load %arg4[%swap3A, %swap3A_10] : memref<1120x1280xf32, #tpu.memory_space<vmem>>, vector<1120x1280xf32>
    tpu.vector_store %arg4[%swap3A, %swap3A_10], %add3A_9 {strides = array<i32>} : memref<1120x1280xf32, #tpu.memory_space<vmem>>, vector<1120x1280xf32>,
    return
  }
  func.func @transform_0(%arg0: i32) -> (i32, i32) {
    %c0_i32 = arith.constant 0 : i32
    %c0_i32_0 = arith.constant 0 : i32
    %c0_i32_1 = arith.constant 0 : i32
    return %c0_i32, %c0_i32_0 : i32, i32
  }
  func.func @transform_1(%arg0: i32) -> (i32, i32) {
    %c0_i32 = arith.constant 0 : i32
    %c0_i32_0 = arith.constant 0 : i32
    return %c0_i32, %arg0 : i32, i32
  }
  func.func @transform_2(%arg0: i32) -> (i32, i32) {
    %c0_i32 = arith.constant 0 : i32
    %c0_i32_0 = arith.constant 0 : i32
    return %c0_i32, %arg0 : i32, i32
  }
  func.func @transform_3(%arg0: i32) -> (i32, i32) {
    %c0_i32 = arith.constant 0 : i32
    %c0_i32_0 = arith.constant 0 : i32
    return %c0_i32, %arg0 : i32, i32
  }
}

</mosaic_0001>

<sc_bundles>
// kernel: sparse-core-data-format-call.cloned.1.call-start
scs
called_computation_lowered:
.L_overlay_start_0:
0x0: {  	s2 =	sld [smem:$0x3FD9]  }
0x1: {  	s3 =	sld [smem:$0x3FFE];
	_ =	sdelay $0x1  }
0x2: {  	s1 =	srdreg.scid  }
0x3: {  	s0 =	sand.u32 $0x1, s1  }
0x4: {  	s15 =	sshll.u32 s0, $0xA;
	s2 =	sadd.s32 s3, s2  }
0x5: {  	s2 =	sadd.s32 s2, s15  }
0x6: {  	[smem:$0x3FA8] =	sst s2  }
0x7: {  	_ = 	snop  }
0x8: {  	s2 =	sld [smem:$0x3FD0];
	_ =	sdelay $0x2  }
0x9: {  	s16 =	simm.s32 $0xA;
	s4 =	simm.s32 $0x10  }
0xa: {  	[smem:s4], [sflag:s16] =	dma.local [hbm:s2], $0x1  }
0xb: {  	_ =	swait.eq [sflag:s16], $0x1  }
0xc: {  	[sflag:s16] =	ssyncset.done $0x0  }
0xd: {  	[sflag:s16] =	ssyncadd.s32 $0xFFFFFFFF  }
0xe: {  	s17 =	sld [smem:$0x10];
	(tm) =	ssettm $0x1  }
0xf: {  	s18 =	sld [smem:$0x3FFB];
	_ =	sdelay $0x3  }
0x10: {  	_ =	strace s18  }
0x11: {  	s3 =	sld [smem:$0x3FFC];
	_ =	sdelay $0x3  }
0x12: {  	_ =	strace s3  }
0x13: {  	s3 =	sld [smem:$0x3FFD];
	_ =	sdelay $0x3  }
0x14: {  	_ =	strace s3  }
0x15: {  	_ =	strace $0x8FFFFFFF  }
0x16: {  	s19 =	sld [smem:$0x3FDB];
	_ =	sdelay $0x1  }
0x17: {  	s20 =	simm.s32 $_scs_section_size  }
0x18: {  	s5 =	simm.s32 $_size__tile_overlayer_lowered;
	s6 =	simm.s32 $_tile_overlayer_lowered  }
0x19: {  	s23 =	simm.s32 $0x1BFF;
	s22 =	sshll.u32 s6, $0x1;
	s3 =	sadd.s32 s20, s19  }
0x1a: {  	s7 =	simm.s32 $0x0;
	s21 =	sshll.u32 s5, $0x1;
	s5 =	sadd.s32 s22, s3  }
0x1b: {  	[timem:s7], [sflag:s23] =	dma.local [hbm:s5], s21  }
0x1c: {  	_ =	swait.ge [sflag:s23], s21  }
0x1d: {  	s4 =	ssub.s32 $0x0, s21;
	[sflag:s23] =	ssyncset.done $0x0  }
0x1e: {  	[sflag:s23] =	ssyncadd.s32 s4;
	_ =	sdelay $0x1  }
0x1f: {  	s24 =	simm.s32 $0x1B8B  }
0x20: {  	_ =	swait.ge [sflag:s24], $0x1  }
0x21: {  	[sflag:s24] =	ssyncset.done $0x0  }
0x22: {  	s26 =	simm.s32 $0x1B8E;
	s25 =	sld [smem:$0x3FFE];
	[sflag:s24] =	ssyncadd.s32 $0xFFFFFFFF  }
0x23: {  	s27 =	simm.s32 $execute0_lowered;
	[smem:$0x3FD2] =	sst s26  }
0x24: {  	s5 =	sshll.u32 s27, $0x1;
	_ =	strace $0x80000046;
	[dreg:$0x1] =	wrdreg $0xFFFFFFFF  }
0x25: {  	s28 =	simm.s32 $_size_execute0_lowered;
	s3 =	sadd.s32 s3, s5;
	[dreg:$0x0] =	wrdreg $0x0  }
0x26: {  	s5 =	sshll.u32 s28, $0x1;
	[dreg:$0x2] =	wrdreg s3  }
0x27: {  	[dreg:$0x3] =	wrdreg s5  }
0x28: {  	[dreg:$0x4] =	wrdreg $0xC0  }
0x29: {  	_ =	task [dreg:s7], $0x5FFFF  }
0x2a: {  	[dreg:$0x1] =	wrdreg $0xFFFFFFFF  }
0x2b: {  	[dreg:$0x0] =	wrdreg $0x60  }
0x2c: {  	[dreg:$0x2] =	wrdreg s25  }
0x2d: {  	[dreg:$0x3] =	wrdreg s17  }
0x2e: {  	[dreg:$0x4] =	wrdreg $0x9  }
0x2f: {  	_ =	task.clear_ibuf [dreg:s7], $0x5FFFF;
	_ =	strace $0x90000046  }
0x30: {  	s29 =	simm.s32 $0x9;
	_ =	strace $0x80000048  }
0x31: {  	_ =	swait.ge [sflag:s29], $0x1  }
0x32: {  	[sflag:s29] =	ssyncadd.s32 $0xFFFFFFFF  }
0x33: {  	_ =	strace $0x90000048  }
0x34: {  	_ =	sfence  }
0x35: {  	s30 =	sld [smem:$0x0];
	_ =	sdelay $0x2  }
0x36: {  	s31 =	sshll.u32 s1, $0xD;
	s1 =	sshrl.u32 s1, $0x2  }
0x37: {  	s3 =	sand.u32 $0x4000, s31;
	s1 =	sadd.s32 s1, s30  }
0x38: {  	s0 =	sor.u32 s3, s0;
	s1 =	sshll.u32 s1, $0x11  }
0x39: {  	s0 =	sor.u32 s1, s0  }
0x3a: {  	s0 =	sadd.s32 $0x8F2B, s0  }
0x3b: {  	[sflag:s0] =	ssyncadd.remote.s32 $0x1  }
0x3c: {  	_ =	sfence.sel $0xFFFF  }
0x3d: {  	[dreg:$0x0] =	wrdreg $0xFFFFFFFF;
	(pc) =	sbr.abs _section_cstart, $3  }
0x3e: {  	[dreg:$0x1] =	wrdreg $0xFFFFFFFF  }
0x3f: {  	_ =	task.clear_ibuf [dreg:s7], $0x2FFFF;
	_ =	strace $0x9FFFFFFF  }
0x40: {  	(tm) =	ssettm $0x7FFFFFFF  }
0x41: {  	_ =	shalt  }
tec
execute0_lowered:
.L_overlay_start_1:
0x0: {  	(tag) =	ssettag $0x1  }
0x1: {  	s0 =	srdreg.scid;
	s6 =	rddreg [dreg:$0x0]  }
0x2: {  	s3 =	rddreg [dreg:$0x1];
	s1 =	sshll.u32 s0, $0x4  }
0x3: {  	s5 =	simm.s32 $0x1;
	s0 =	stileid.u32;
	s1 =	sand.u32 $0x10, s1  }
0x4: {  	s31 =	simm.s32 $0x2;
	s17 =	simm.s32 $0x0;
	s1 =	sor.u32 s0, s1  }
0x5: {  	s8 =	simm.s32 $0x3E800;
	s9 =	simm.s32 $0x0;
	s2 =	sshll.u32 s1, $0x7  }
0x6: {  	s19 =	simm.s32 $0x0;
	s18 =	simm.s32 $0x0;
	s4 =	ssub.s32 $0x7D00, s2  }
0x7: {  	s10 =	simm.s32 $0x0;
	s11 =	simm.s32 $0x0;
	s30 =	sand.u32 $0xF80, s4  }
0x8: {  	s12 =	simm.s32 $0x0;
	s14 =	simm.s32 $0x0;
	p0 =	sne.s32 s30, $0x0  }
.Ltmp0:
0x9: {  	s7 =	sshrl.u32 s4, $0xC;
	s5 =	simm.s32 @!p0 $0x0;
	(pc) =	sbr.rel .LBB1_1-.Ltmp0, $4  }
0xa: {  	s15 =	simm.s32 $0x0;
	s1 =	rddreg [dreg:$0x2];
	s5 =	sadd.s32 s5, s7  }
0xb: {  	_ =	strace $0x80000047;
	s4 =	simm.s32 $0x1;
	s5 =	smul.u32 $0x9, s5  }
0xc: {  	s16 =	simm.s32 $0x0;
	s6 =	sadd.s32 $0x2400, s6;
	[sflag:s4] =	ssyncpa.u1 $0x0  }
0xd: {  	s13 =	smov.u32 s2;
	[sflag:s31] =	ssyncpa.u1 $0x0;
	s7 =	sadd.s32 $0x1, s5  }
.LBB1_7:
0xe: {  	p0 =	slt.u32 s16, $0x2  }
0xf: {  	p1 =	sgt.s32 @!p0 s19, $0x1F  }
0x10: {  	s20 =	smov.u32 s19;
	s21 =	sshra.s32 @!p0 s19, $0x1F;
	p1 =	por !p1, p0  }
0x11: {  	s19 =	sand.u32 @!p0 s21, s19;
	s20 =	simm.s32 @p1 $0x1F  }
0x12: {  	p2 =	sgt.s32 @!p0 s17, $0x7C80;
	s19 =	ssub.s32 @!p0 s20, s19  }
0x13: {  	p2 =	por !p2, p0;
	s21 =	sshra.s32 @!p0 s17, $0x1F;
	s20 =	sadd.s32 @!p0 $0xFFFFFFE1, s19  }
0x14: {  	s19 =	ssub.s32 @!p0 $0x23, s19;
	p1 =	sgt.s32 @!p0 s20, $0x3;
	s20 =	ssub.s32 @!p0 $0x0, s18  }
0x15: {  	p1 =	por !p1, p0;
	s18 =	smin.u32 @!p0 s18, s20;
	s20 =	smov.u32 s17  }
0x16: {  	s17 =	sand.u32 @!p0 s21, s17;
	s21 =	smov.u32 s14;
	s20 =	simm.s32 @p2 $0x7C80  }
0x17: {  	p2 =	sgt.s32 @!p0 s18, $0x1F;
	s18 =	ssub.s32 @!p0 $0x20, s18;
	s17 =	ssub.s32 @!p0 s20, s17  }
0x18: {  	s19 =	simm.s32 @!p1 $0x0;
	p2 =	por !p2, p0;
	s20 =	sadd.s32 @!p0 $0xFFFF8380, s17  }
0x19: {  	s18 =	simm.s32 @!p2 $0x0;
	s17 =	ssub.s32 @!p0 $0x7D00, s17;
	p1 =	sgt.s32 @!p0 s20, $0x7F  }
0x1a: {  	s18 =	smul.u32 @!p0 s18, s19;
	s20 =	sadd.s32 $0x1000, s13;
	p1 =	por !p1, p0  }
0x1b: {  	s19 =	sadd.s32 $0x4, s14;
	s17 =	simm.s32 @!p1 $0x0;
	p1 =	sgt.s32 s20, $0x7CFF  }
0x1c: {  	s22 =	smov.u32 s15;
	s21 =	smov.u32 @p1 s19  }
0x1d: {  	s17 =	smul.u32 @!p0 s17, s18;
	s18 =	sadd.s32 $0x20, s15;
	p2 =	sgt.s32 s21, $0x22  }
0x1e: {  	s9 =	sadd.s32 $0x4000, s9;
	s23 =	simm.s32 @!p0 $0x2;
	s22 =	smov.u32 @p2 s18  }
0x1f: {  	s20 =	smov.u32 @p1 s2;
	s19 =	smov.u32 s11;
	p1 =	sgt.s32 s22, $0x1F  }
0x20: {  	s11 =	smov.u32 s14;
	s22 =	simm.s32 @p1 $0x0;
	p1 =	sne.s32 s16, s7  }
.Ltmp1:
0x21: {  	s17 =	sand.u32 @!p0 $0x3FFFFFFF, s17;
	s21 =	simm.s32 @p2 $0x0;
	(pc) =	sbr.rel @!p1 .LBB1_8-.Ltmp1, $4  }
0x22: {  	s18 =	smov.u32 s12;
	s12 =	smov.u32 s15;
	_ =	swait.ge @!p0 [sflag:s23], s17  }
0x23: {  	s24 =	ssub.s32 @!p0 $0x0, s17;
	s17 =	smov.u32 s10;
	s10 =	smov.u32 s13  }
0x24: {  	s13 =	smov.u32 s20;
	s14 =	smov.u32 s21;
	[sflag:s23] =	ssyncset.done @!p0 $0x0  }
0x25: {  	s16 =	sadd.s32 $0x1, s16;
	[sflag:s23] =	ssyncadd.s32 @!p0 s24;
	s15 =	smov.u32 s22  }
.LBB1_1:
0x26: {  	p0 =	sge.u32 s16, s5  }
0x27: {  	s20 =	sshrl.u32 @!p0 s14, $0x3  }
0x28: {  	s21 =	sshll.u32 @!p0 s13, $0x3;
	s20 =	smul.u32 @!p0 $0x3E800, s20  }
0x29: {  	s22 =	sshll.u32 @!p0 s14, $0x7;
	s21 =	sand.u32 @!p0 $0xFFFFFC00, s21  }
0x2a: {  	s20 =	sadd.s32 @!p0 s20, s21;
	s21 =	sand.u32 @!p0 $0x380, s22  }
0x2b: {  	s20 =	sor.u32 @!p0 s21, s20  }
0x2c: {  	s21 =	sand.u32 @!p0 $0x7F, s13;
	s22 =	smulhi.u32 @!p0 $0x10624DD3, s20  }
0x2d: {  	s20 =	sor.u32 @!p0 s21, s20  }
0x2e: {  	s21 =	smulhi.u32 @!p0 $0x10624DD3, s20;
	s22 =	sshrl.u32 @!p0 s22, $0xB  }
0x2f: {  	s23 =	smulhi.u32 @!p0 $0x6666667, s22;
	_ =	sdelay $0x1  }
0x30: {  	s21 =	sshrl.u32 @!p0 s21, $0xB;
	s23 =	smul.u32 @!p0 $0x28, s23  }
0x31: {  	s31 =	sadd.s32 $0xFFFFFFFF, s16;
	s21 =	smul.u32 @!p0 $0x7D00, s21  }
0x32: {  	s24 =	sxor.u32 @!p0 $0xFFFFFFFF, s16;
	s22 =	ssub.s32 @!p0 s22, s23;
	s23 =	smul.u32 @!p0 $0x27100, s15  }
0x33: {  	s24 =	sshll.u32 @!p0 s24, $0xE;
	s20 =	ssub.s32 @!p0 s20, s21;
	s21 =	smul.u32 @!p0 $0xFA0, s22  }
0x34: {  	s22 =	sand.u32 @!p0 $0x4000, s24;
	s24 =	sand.u32 @!p0 $0x7, s20;
	s23 =	sadd.s32 @!p0 s6, s23  }
0x35: {  	s20 =	sshrl.u32 @!p0 s20, $0x3;
	s21 =	sadd.s32 @!p0 s21, s23;
	s23 =	sshll.u32 @!p0 s24, $0x12  }
0x36: {  	s20 =	sadd.s32 @!p0 s20, s21;
	s21 =	sor.u32 @!p0 $0x200, s23;
	s23 =	simm.s32 @!p0 $0x138800  }
0x37: {  	[tilespmem:s22], [sflag:$0x1] =	stream.strided.gather @!p0 [hbm4b:s20+s21], $0x4000, s23, s21, $0x38;
	[tilespmem:$0x10000] =	vst v63  }
0x38: {  	p0 =	sge.u32 s31, s5  }
.Ltmp2:
0x39: {  	_ = 	snop;
	(pc) =	sbr.rel @p0 .LBB1_7-.Ltmp2, $1  }
0x3a: {  	_ =	sdelay $0x3  }
0x3b: {  	s20 =	sand.u32 $0x4000, s9  }
0x3c: {  	_ =	swait.ge [sflag:s4], $0x4000;
	s23 =	sshll.u32 s16, $0xE;
	s21 =	sor.u32 $0x8040, s20  }
0x3d: {  	s22 =	sor.u32 $0x40, s20;
	[sflag:s4] =	ssyncset.done $0x0;
	s31 =	sand.u32 $0x4000, s23  }
0x3e: {  	s23 =	simm.s32 $0x0;
	[sflag:s4] =	ssyncadd.s32 $0xFFFFC000;
	s20 =	sor.u32 $0x8000, s31  }
.LBB1_3:
0x3f: {  	v0 =	vmov s22;
	_ =	sdelay $0x3  }
0x40: {  	s25 =	simm.s32 $0x0  }
0x41: {  	v6 =	vld.idx.msk [tilespmem:v0+s25+$0x30 ss:$0x1], $0xffff  }
0x42: {  	v7 =	vld.idx.msk [tilespmem:v0+s25+$0xFFFFFFC0 ss:$0x1], $0xffff  }
0x43: {  	v5 =	vld.idx.msk [tilespmem:v0+s25+$0xFFFFFFD0 ss:$0x1], $0xffff  }
0x44: {  	v4 =	vld.idx.msk [tilespmem:v0+s25+$0xFFFFFFE0 ss:$0x1], $0xffff  }
0x45: {  	v3 =	vld.idx.msk [tilespmem:v0+s25+$0xFFFFFFF0 ss:$0x1], $0xffff  }
0x46: {  	v1 =	vld.idx.msk [tilespmem:v0+s25+$0x0 ss:$0x1], $0xffff  }
0x47: {  	v2 =	vld.idx.msk [tilespmem:v0+s25+$0x10 ss:$0x1], $0xffff;
	[tilespmem:s21+$0x30] =	vst v6  }
0x48: {  	s24 =	simm.s32 $0x80;
	s26 =	simm.s32 $0x400;
	[tilespmem:s21+$0xFFFFFFC0] =	vst v7;
	v6 =	vld.idx.msk [tilespmem:v0+s25+$0x20 ss:$0x1], $0xffff;
	s25 =	smov.u32 s21  }
.LBB1_4:
0x49: {  	p0 =	sne.s32 s26, $0x600;
	v7 =	vld.idx.msk [tilespmem:v0+s24+$0x30 ss:$0x1], $0xffff;
	[tilespmem:s25+$0xFFFFFFD0] =	vst v5  }
0x4a: {  	v8 =	vld.idx.msk [tilespmem:v0+s24+$0xFFFFFFC0 ss:$0x1], $0xffff;
	[tilespmem:s25+$0xFFFFFFE0] =	vst v4  }
0x4b: {  	v5 =	vld.idx.msk [tilespmem:v0+s24+$0xFFFFFFD0 ss:$0x1], $0xffff;
	[tilespmem:s25+$0xFFFFFFF0] =	vst v3  }
.Ltmp3:
0x4c: {  	v4 =	vld.idx.msk [tilespmem:v0+s24+$0xFFFFFFE0 ss:$0x1], $0xffff;
	[tilespmem:s25+$0x0] =	vst v1;
	(pc) =	sbr.rel @p0 .LBB1_4-.Ltmp3, $4  }
0x4d: {  	v3 =	vld.idx.msk [tilespmem:v0+s24+$0xFFFFFFF0 ss:$0x1], $0xffff;
	[tilespmem:s25+$0x10] =	vst v2  }
0x4e: {  	v1 =	vld.idx.msk [tilespmem:v0+s24+$0x0 ss:$0x1], $0xffff;
	[tilespmem:s25+$0x20] =	vst v6;
	s25 =	sadd.s32 $0x1000, s25  }
0x4f: {  	v2 =	vld.idx.msk [tilespmem:v0+s24+$0x10 ss:$0x1], $0xffff;
	[tilespmem:s25+$0x30] =	vst v7  }
0x50: {  	[tilespmem:s25+$0xFFFFFFC0] =	vst v8;
	v6 =	vld.idx.msk [tilespmem:v0+s24+$0x20 ss:$0x1], $0xffff;
	s24 =	sshra.s32 s26, $0x2;
	s26 =	sadd.s32 $0x200, s26  }
0x51: {  	_ =	sdelay $0x2  }
0x52: {  	[tilespmem:s25+$0xFFFFFFD0] =	vst v5  }
0x53: {  	v56 =	vld.idx.msk [tilespmem:v0+s24+$0x30 ss:$0x1], $0xffff;
	[tilespmem:s25+$0xFFFFFFE0] =	vst v4  }
0x54: {  	v57 =	vld.idx.msk [tilespmem:v0+s24+$0xFFFFFFC0 ss:$0x1], $0xffff;
	[tilespmem:s25+$0xFFFFFFF0] =	vst v3  }
0x55: {  	v58 =	vld.idx.msk [tilespmem:v0+s24+$0xFFFFFFD0 ss:$0x1], $0xffff;
	[tilespmem:s25+$0x0] =	vst v1  }
0x56: {  	v59 =	vld.idx.msk [tilespmem:v0+s24+$0xFFFFFFE0 ss:$0x1], $0xffff;
	[tilespmem:s25+$0x10] =	vst v2  }
0x57: {  	v60 =	vld.idx.msk [tilespmem:v0+s24+$0xFFFFFFF0 ss:$0x1], $0xffff;
	s31 =	sadd.s32 $0x1000, s25;
	[tilespmem:s25+$0x20] =	vst v6  }
0x58: {  	v61 =	vld.idx.msk [tilespmem:v0+s24+$0x0 ss:$0x1], $0xffff;
	[tilespmem:s31+$0x30] =	vst v56  }
0x59: {  	v62 =	vld.idx.msk [tilespmem:v0+s24+$0x10 ss:$0x1], $0xffff;
	s23 =	sadd.s32 $0x1, s23;
	[tilespmem:s31+$0xFFFFFFC0] =	vst v57  }
0x5a: {  	v63 =	vld.idx.msk [tilespmem:v0+s24+$0x20 ss:$0x1], $0xffff;
	p0 =	sne.s32 s23, $0x20;
	[tilespmem:s31+$0xFFFFFFD0] =	vst v58  }
.Ltmp4:
0x5b: {  	[tilespmem:s31+$0xFFFFFFE0] =	vst v59;
	(pc) =	sbr.rel @p0 .LBB1_3-.Ltmp4, $4  }
0x5c: {  	[tilespmem:s31+$0xFFFFFFF0] =	vst v60  }
0x5d: {  	[tilespmem:s31+$0x0] =	vst v61  }
0x5e: {  	[tilespmem:s31+$0x10] =	vst v62  }
0x5f: {  	s21 =	sadd.s32 $0x80, s21;
	s22 =	sadd.s32 $0x200, s22;
	[tilespmem:s31+$0x20] =	vst v63  }
0x60: {  	s21 =	sshrl.u32 s12, $0x3  }
0x61: {  	s22 =	sshll.u32 s10, $0x3;
	s23 =	sshll.u32 s12, $0x7;
	s24 =	sand.u32 $0x7F, s10  }
0x62: {  	p0 =	sgt.s32 s11, $0x1F;
	s30 =	sshra.s32 s11, $0x1F;
	s26 =	smov.u32 s10  }
0x63: {  	s27 =	sshra.s32 s10, $0x1F;
	s21 =	smul.u32 $0x3E800, s21;
	s22 =	sand.u32 $0xFFFFFC00, s22  }
0x64: {  	s29 =	sand.u32 $0x380, s23;
	s23 =	sand.u32 s30, s11;
	s31 =	sand.u32 s27, s10  }
0x65: {  	s27 =	ssub.s32 $0x0, s12;
	s21 =	sadd.s32 s21, s22;
	s22 =	smov.u32 s11  }
0x66: {  	s21 =	sor.u32 s29, s21;
	s22 =	simm.s32 @!p0 $0x1F;
	p0 =	sgt.s32 s10, $0x7C80  }
0x67: {  	s29 =	smul.u32 $0x1F400, s11;
	s24 =	sor.u32 s24, s21;
	s22 =	ssub.s32 s22, s23  }
0x68: {  	s26 =	simm.s32 @!p0 $0x7C80;
	s21 =	smulhi.u32 $0x10624DD3, s21;
	s23 =	sadd.s32 $0xFFFFFFE1, s22  }
0x69: {  	s25 =	smulhi.u32 $0x10624DD3, s24;
	s22 =	ssub.s32 $0x23, s22;
	p1 =	sgt.s32 s23, $0x3  }
0x6a: {  	s23 =	ssub.s32 s26, s31;
	s26 =	smin.u32 s12, s27;
	s21 =	sshrl.u32 s21, $0xB  }
0x6b: {  	s25 =	sshrl.u32 s25, $0xB;
	s22 =	simm.s32 @p1 $0x0;
	p0 =	sgt.s32 s26, $0x1F  }
0x6c: {  	s26 =	ssub.s32 $0x20, s26;
	s21 =	sand.u32 $0x1F, s21;
	s25 =	smul.u32 $0x7D00, s25  }
0x6d: {  	s28 =	sadd.s32 $0xFFFF8380, s23;
	s26 =	simm.s32 @p0 $0x0;
	s21 =	smul.u32 $0xFA0, s21  }
0x6e: {  	s23 =	ssub.s32 $0x7D00, s23;
	p0 =	sgt.s32 s28, $0x7F;
	s22 =	smul.u32 s26, s22  }
.Ltmp5:
0x6f: {  	s23 =	simm.s32 @p0 $0x0;
	s24 =	ssub.s32 s24, s25;
	(pc) =	sbr.rel .LBB1_7-.Ltmp5, $4  }
0x70: {  	s30 =	sadd.s32 s3, s29;
	s22 =	smul.u32 s23, s22;
	s25 =	sand.u32 $0x7, s24  }
0x71: {  	s21 =	sadd.s32 s21, s30;
	s24 =	sshrl.u32 s24, $0x3;
	s31 =	sshll.u32 s25, $0x12  }
0x72: {  	s21 =	sadd.s32 s24, s21;
	s22 =	sand.u32 $0x3FFFFFFF, s22;
	s23 =	sor.u32 $0x400, s31  }
0x73: {  	[hbm4b:s21+s23] =	stream.strided.scatter [tilespmem:s20], [sflag:$0x2], s22, s8, s23, $0x38;
	[tilespmem:$0x10000] =	vst v63  }
.LBB1_8:
0x74: {  	_ =	sfence.sel $0x180000  }
0x75: {  	s2 =	simm.s32 $0x1;
	[bflag:$0x0] =	sbarrier.arrive $0xFFFF  }
0x76: {  	s31 =	simm.s32 $0x2;
	[sflag:s2] =	ssyncpa.u1 $0x1  }
0x77: {  	[sflag:s31] =	ssyncpa.u1 $0x1  }
0x78: {  	p0 =	sne.s32 s0, $0x0;
	_ =	strace $0x90000047  }
0x79: {  	s0 =	sadd.s32 @!p0 $0x100000, s1;
	[bflag:$0x2] =	sbarrier.arrive $0xFFFF  }
0x7a: {  	[sflag:s0] =	ssyncadd.tile.s32 @!p0 $0x1;
	_ =	shalt  }
.Lfunc_end1:
_tile_overlayer_lowered:
.L_overlay_start_2:
0x7b: {  	(tag) =	ssettag $0x2  }
0x7c: {  	s0 =	rddreg [dreg:$0x0];
	s2 =	stileid.u32  }
0x7d: {  	s1 =	rddreg [dreg:$0x1];
	p0 =	sne.s32 s2, $0x0  }
0x7e: {  	s3 =	rddreg [dreg:$0x2];
	[bflag:$0x3] =	sbarrier.arrive $0xFFFF;
	s2 =	simm.s32 @!p0 $0x1C01  }
0x7f: {  	[timem:s3], [sflag:s2] =	dma.local @!p0 [hbm:s0], s1  }
0x80: {  	s0 =	simm.s32 @!p0 $0x1  }
0x81: {  	_ =	swait.ge @!p0 [sflag:s0], s1  }
0x82: {  	s1 =	ssub.s32 @!p0 $0x0, s1;
	[sflag:s0] =	ssyncset.done @!p0 $0x0  }
0x83: {  	[sflag:s0] =	ssyncadd.s32 @!p0 s1  }
0x84: {  	[bflag:$0x3] =	sbarrier.arrive $0xFFFF  }
0x85: {  	_ =	shalt  }

</sc_bundles>
